<compile_context>
chip_gen: v7x
topology: tpu7x:2x2x1
jax: 0.10.2.dev20260603
libtpu: 0.0.44.dev20260713+nightly
codegen_flags: <defaults>
</compile_context>

<pallas_src>
import functools

import jax
import jax.numpy as jnp
from jax import lax
from jax.experimental import pallas as pl
from jax.experimental.pallas import tpu as pltpu
from jax.experimental.pallas import tpu_sc as plsc

N_TOKEN = 1000000
D_EMBED = 64
EMB_SCALE = D_EMBED ** 0.5

_S = 16384
_T = 50
_NW = 32
_S_PER_W = _S // _NW
_C = 8
_TOK = _C * _T
_NCH = _S_PER_W // _C
_G = 16
_NG = _TOK // _G
_WG = 16
_LANES = 16


def _emb_body(idx_hbm, table_hbm, out_hbm, idx0, idx1, rows0, rows1,
              sem_g0, sem_g1, sem_w0, sem_w1):
    wid = lax.axis_index("s") * 2 + lax.axis_index("c")
    s0 = wid * _S_PER_W

    bufs = ((idx0, rows0, sem_g0, sem_w0), (idx1, rows1, sem_g1, sem_w1))

    def stage_idx(g, idx_v):
        tb = (s0 + g * _C) * _T
        pltpu.sync_copy(idx_hbm.at[pl.ds(pl.multiple_of(tb, _TOK), _TOK)], idx_v)

    def gather_chunk(idx_v, rows_v, sem_g):
        def fire_group(q, _):
            v = idx_v[pl.ds(q * _G, _G)]
            for k in range(_G):
                pltpu.async_copy(
                    table_hbm.at[pl.ds(v[k], 1)],
                    rows_v.at[pl.ds(q * _G + k, 1)],
                    sem_g,
                )

            @pl.when(q >= _WG)
            def _():
                pltpu.make_async_copy(
                    table_hbm.at[pl.ds(0, _G)],
                    rows_v.at[pl.ds(0, _G)],
                    sem_g,
                ).wait()

            return 0

        lax.fori_loop(0, _NG, fire_group, 0)
        pltpu.make_async_copy(
            table_hbm.at[pl.ds(0, _WG * _G)],
            rows_v.at[pl.ds(0, _WG * _G)],
            sem_g,
        ).wait()

        def scale_row(r, _):
            for k in range(D_EMBED // _LANES):
                sl = pl.ds(k * _LANES, _LANES)
                rows_v[r, sl] = rows_v[r, sl] * EMB_SCALE
            return 0

        lax.fori_loop(0, _TOK, scale_row, 0)

    def write_chunk(g, rows_v, sem_w):
        sb = s0 + g * _C

        def write_sample(c, _):
            pltpu.async_copy(
                rows_v.at[pl.ds(c * _T, _T)],
                out_hbm.at[sb + c],
                sem_w,
            )
            return 0

        lax.fori_loop(0, _C, write_sample, 0)

    def wait_writes(rows_v, sem_w):
        pltpu.make_async_copy(rows_v, out_hbm.at[pl.ds(0, _C)], sem_w).wait()

    def process(g, idx_v, rows_v, sem_g, sem_w, first):
        stage_idx(g, idx_v)

        @pl.when(jnp.logical_not(first))
        def _():
            wait_writes(rows_v, sem_w)

        gather_chunk(idx_v, rows_v, sem_g)
        write_chunk(g, rows_v, sem_w)

    def pair_body(j, _):
        i0, r0, sg0, sw0 = bufs[0]
        i1, r1, sg1, sw1 = bufs[1]
        process(2 * j, i0, r0, sg0, sw0, j == 0)
        process(2 * j + 1, i1, r1, sg1, sw1, j == 0)
        return 0

    lax.fori_loop(0, _NCH // 2, pair_body, 0)

    wait_writes(bufs[0][1], bufs[0][3])
    wait_writes(bufs[1][1], bufs[1][3])


_mesh = plsc.VectorSubcoreMesh(core_axis_name="c", subcore_axis_name="s")

_emb_call = functools.partial(
    pl.kernel,
    mesh=_mesh,
    out_type=jax.ShapeDtypeStruct((_S, _T, D_EMBED), jnp.float32),
    scratch_types=[
        pltpu.VMEM((_TOK,), jnp.int32),
        pltpu.VMEM((_TOK,), jnp.int32),
        pltpu.VMEM((_TOK, D_EMBED), jnp.float32),
        pltpu.VMEM((_TOK, D_EMBED), jnp.float32),
        pltpu.SemaphoreType.DMA,
        pltpu.SemaphoreType.DMA,
        pltpu.SemaphoreType.DMA,
        pltpu.SemaphoreType.DMA,
    ],
)(_emb_body)


@jax.jit
def kernel(inp, emb_weight):
    idx = inp.reshape(-1).astype(jnp.int32)
    return _emb_call(idx, emb_weight)

# --- scband reference (transcript-rebuilt; emitter-appended) ---
"""Pipeline reference for scband-token-embedding-17867063951629 (READ-ONLY COPY).

The authoritative reference and input builder live on the scoring server;
editing this copy changes nothing except your own understanding.
"""

import jax, jax.numpy as jnp
import numpy as np

N_TOKEN = 1000000
D_EMBED = 64
EMB_SCALE = D_EMBED ** 0.5

def setup_inputs(seed: int = 0) -> dict:
    key = jax.random.key(seed)
    k1, k2 = jax.random.split(key)
    inp = jax.random.randint(k1, (16384, 50), 0, N_TOKEN, dtype=jnp.int64 if jax.config.jax_enable_x64 else jnp.int32)
    # kaiming normal init: std = sqrt(2 / fan_in), fan_in = d_embed for nn.Embedding weight [n_token, d_embed]
    std = float(np.sqrt(2.0 / D_EMBED))
    emb_weight = jax.random.normal(k2, (N_TOKEN, D_EMBED), dtype=jnp.float32) * std
    return {"inp": inp, "emb_weight": emb_weight}

def reference(inp, emb_weight):
    embed = jnp.take(emb_weight, inp, axis=0)
    embed = embed * EMB_SCALE
    return embed

if __name__ == "__main__":
    import jax
    _d = setup_inputs()
    print(jax.jit(kernel)(*tuple(_d.values())))

</pallas_src>

<mosaic_0001>
#map = affine_map<(d0, d1) -> (0)>
#map1 = affine_map<(d0, d1) -> (0, 0)>
#map2 = affine_map<(d0, d1) -> (0, 0, 0)>
module attributes {stable_mosaic.version = 14 : i64} {
  func.func @_emb_body(%arg0: i32, %arg1: i32, %arg2: memref<819200xi32, #tpu.memory_space<hbm>>, %arg3: memref<1000000x64xf32, #tpu.memory_space<hbm>>, %arg4: memref<16384x50x64xf32, #tpu.memory_space<hbm>>, %arg5: memref<400xi32, #tpu.memory_space<vmem>>, %arg6: memref<400xi32, #tpu.memory_space<vmem>>, %arg7: memref<400x64xf32, #tpu.memory_space<vmem>>, %arg8: memref<400x64xf32, #tpu.memory_space<vmem>>, %arg9: memref<!tpu.dma_semaphore, #tpu.memory_space<semaphore_mem>>, %arg10: memref<!tpu.dma_semaphore, #tpu.memory_space<semaphore_mem>>, %arg11: memref<!tpu.dma_semaphore, #tpu.memory_space<semaphore_mem>>, %arg12: memref<!tpu.dma_semaphore, #tpu.memory_space<semaphore_mem>>) attributes {dimension_semantics = [#tpu.dimension_semantics<core_parallel>, #tpu.dimension_semantics<subcore_parallel>], iteration_bounds = array<i64: 2, 16>, scalar_prefetch = 0 : i64, scratch_operands = 8 : i64, tpu.core_type = #tpu.core_type<sc_vector_subcore>, window_params = [{transform_indices = #map}, {transform_indices = #map1}, {transform_indices = #map2}]} {
    %mul3A = arith.constant 2 : i32
    %mul3A_0 = arith.muli %arg1, %mul3A : i32
    %add3A = arith.addi %mul3A_0, %arg0 : i32
    %mul3A_1 = arith.constant 512 : i32
    %mul3A_2 = arith.muli %add3A, %mul3A_1 : i32
    %scan3A = arith.constant 0 : i32
    %scan3A_3 = arith.constant 0 : i32
    %scan3A_4 = arith.constant 32 : i32
    %scan3A_5 = arith.addi %scan3A_3, %scan3A_4 : i32
    %scan3A_6 = arith.constant 1 : i32
    %scan3A_7 = scf.for %scan3A_24 = %scan3A_3 to %scan3A_5 step %scan3A_6 iter_args(%scan3A_25 = %scan3A) -> (i32)  : i32 {
      %mul3A_26 = arith.constant 2 : i32
      %mul3A_27 = arith.muli %mul3A_26, %scan3A_24 : i32
      %eq3A = arith.constant 0 : i32
      %eq3A_28 = arith.cmpi eq, %scan3A_24, %eq3A : i32
      %mul3A_29 = arith.constant 8 : i32
      %mul3A_30 = arith.muli %mul3A_27, %mul3A_29 : i32
      %add3A_31 = arith.addi %mul3A_2, %mul3A_30 : i32
      %mul3A_32 = arith.constant 50 : i32
      %mul3A_33 = arith.muli %add3A_31, %mul3A_32 : i32
      %multiple_of3A = tpu.assume_multiple %mul3A_33, 400 : i32
      "tpu.region"() ({
        %run_scoped3A = tpu.sem_alloc : memref<!tpu.dma_semaphore, #tpu.memory_space<semaphore_mem>>
        %dma_start3A = tpu.memref_slice %arg2[%multiple_of3A] : memref<819200xi32, #tpu.memory_space<hbm>> -> memref<400xi32, #tpu.memory_space<hbm>>
        %dma_start3A_126 = tpu.memref_slice %arg2[%multiple_of3A] : memref<819200xi32, #tpu.memory_space<hbm>> -> memref<400xi32, #tpu.memory_space<hbm>>
        tpu.enqueue_dma source(%dma_start3A_126 : memref<400xi32, #tpu.memory_space<hbm>>) target(%arg5 : memref<400xi32, #tpu.memory_space<vmem>>) target_semaphore(%run_scoped3A : memref<!tpu.dma_semaphore, #tpu.memory_space<semaphore_mem>>)
        %dma_wait3A_127 = tpu.memref_slice %arg2[%multiple_of3A] : memref<819200xi32, #tpu.memory_space<hbm>> -> memref<400xi32, #tpu.memory_space<hbm>>
        %dma_wait3A_128 = tpu.memref_slice %arg2[%multiple_of3A] : memref<819200xi32, #tpu.memory_space<hbm>> -> memref<400xi32, #tpu.memory_space<hbm>>
        tpu.wait_dma2 semaphore(%run_scoped3A : memref<!tpu.dma_semaphore, #tpu.memory_space<semaphore_mem>>) src(%dma_wait3A_128 : memref<400xi32, #tpu.memory_space<hbm>>) dst(%arg5 : memref<400xi32, #tpu.memory_space<vmem>>)
        tpu.yield
      }) : () -> ()
      %not3A = arith.constant true
      %not3A_34 = arith.xori %eq3A_28, %not3A : i1
      %convert_element_type3A = arith.extui %not3A_34 : i1 to i32
      %cond3A = arith.constant 0 : i32
      %cond3A_35 = arith.cmpi ne, %convert_element_type3A, %cond3A : i32
      scf.if %cond3A_35 {
        %dma_wait3A_126 = arith.constant 0 : i32
        %dma_wait3A_127 = arith.constant 0 : i32
        %dma_wait3A_128 = arith.constant 0 : i32
        %dma_wait3A_129 = tpu.memref_slice %arg4[%dma_wait3A_126, %dma_wait3A_127, %dma_wait3A_128] : memref<16384x50x64xf32, #tpu.memory_space<hbm>> -> memref<8x50x64xf32, #tpu.memory_space<hbm>>
        %dma_wait3A_130 = arith.constant 0 : i32
        %dma_wait3A_131 = arith.constant 0 : i32
        %dma_wait3A_132 = arith.constant 0 : i32
        %dma_wait3A_133 = tpu.memref_slice %arg4[%dma_wait3A_130, %dma_wait3A_131, %dma_wait3A_132] : memref<16384x50x64xf32, #tpu.memory_space<hbm>> -> memref<8x50x64xf32, #tpu.memory_space<hbm>>
        tpu.wait_dma2 semaphore(%arg11 : memref<!tpu.dma_semaphore, #tpu.memory_space<semaphore_mem>>) src(%arg7 : memref<400x64xf32, #tpu.memory_space<vmem>>) dst(%dma_wait3A_133 : memref<8x50x64xf32, #tpu.memory_space<hbm>>)
      } else {
      }
      %scan3A_36 = arith.constant 0 : i32
      %scan3A_37 = arith.constant 0 : i32
      %scan3A_38 = arith.constant 25 : i32
      %scan3A_39 = arith.addi %scan3A_37, %scan3A_38 : i32
      %scan3A_40 = arith.constant 1 : i32
      %scan3A_41 = scf.for %scan3A_126 = %scan3A_37 to %scan3A_39 step %scan3A_40 iter_args(%scan3A_127 = %scan3A_36) -> (i32)  : i32 {
        %mul3A_128 = arith.constant 16 : i32
        %mul3A_129 = arith.muli %scan3A_126, %mul3A_128 : i32
        %get3A = arith.index_cast %mul3A_129 : i32 to index
        %get3A_130 = tpu.vector_load %arg5[%get3A] {strides = array<i32>} : memref<400xi32, #tpu.memory_space<vmem>>, vector<16xi32>,
        %get3A_131 = vector.shape_cast %get3A_130 : vector<16xi32> to vector<16xi32>
        %slice3A = vector.extract_strided_slice %get3A_131 {offsets = [0], sizes = [1], strides = [1]} : vector<16xi32> to vector<1xi32>
        %squeeze3A = vector.extract %slice3A[0] : i32 from vector<1xi32>
        %mul3A_132 = arith.constant 16 : i32
        %mul3A_133 = arith.muli %scan3A_126, %mul3A_132 : i32
        %add3A_134 = arith.constant 0 : i32
        %add3A_135 = arith.addi %mul3A_133, %add3A_134 : i32
        %dma_start3A = arith.constant 0 : i32
        %dma_start3A_136 = tpu.memref_slice %arg7[%add3A_135, %dma_start3A] : memref<400x64xf32, #tpu.memory_space<vmem>> -> memref<1x64xf32, #tpu.memory_space<vmem>>
        %dma_start3A_137 = arith.constant 0 : i32
        %dma_start3A_138 = tpu.memref_slice %arg3[%squeeze3A, %dma_start3A_137] : memref<1000000x64xf32, #tpu.memory_space<hbm>> -> memref<1x64xf32, #tpu.memory_space<hbm>>
        %dma_start3A_139 = arith.constant 0 : i32
        %dma_start3A_140 = tpu.memref_slice %arg7[%add3A_135, %dma_start3A_139] : memref<400x64xf32, #tpu.memory_space<vmem>> -> memref<1x64xf32, #tpu.memory_space<vmem>>
        %dma_start3A_141 = arith.constant 0 : i32
        %dma_start3A_142 = tpu.memref_slice %arg3[%squeeze3A, %dma_start3A_141] : memref<1000000x64xf32, #tpu.memory_space<hbm>> -> memref<1x64xf32, #tpu.memory_space<hbm>>
        tpu.enqueue_dma source(%dma_start3A_142 : memref<1x64xf32, #tpu.memory_space<hbm>>) target(%dma_start3A_140 : memref<1x64xf32, #tpu.memory_space<vmem>>) target_semaphore(%arg9 : memref<!tpu.dma_semaphore, #tpu.memory_space<semaphore_mem>>)
        %slice3A_143 = vector.extract_strided_slice %get3A_131 {offsets = [1], sizes = [1], strides = [1]} : vector<16xi32> to vector<1xi32>
        %squeeze3A_144 = vector.extract %slice3A_143[0] : i32 from vector<1xi32>
        %mul3A_145 = arith.constant 16 : i32
        %mul3A_146 = arith.muli %scan3A_126, %mul3A_145 : i32
        %add3A_147 = arith.constant 1 : i32
        %add3A_148 = arith.addi %mul3A_146, %add3A_147 : i32
        %dma_start3A_149 = arith.constant 0 : i32
        %dma_start3A_150 = tpu.memref_slice %arg7[%add3A_148, %dma_start3A_149] : memref<400x64xf32, #tpu.memory_space<vmem>> -> memref<1x64xf32, #tpu.memory_space<vmem>>
        %dma_start3A_151 = arith.constant 0 : i32
        %dma_start3A_152 = tpu.memref_slice %arg3[%squeeze3A_144, %dma_start3A_151] : memref<1000000x64xf32, #tpu.memory_space<hbm>> -> memref<1x64xf32, #tpu.memory_space<hbm>>
        %dma_start3A_153 = arith.constant 0 : i32
        %dma_start3A_154 = tpu.memref_slice %arg7[%add3A_148, %dma_start3A_153] : memref<400x64xf32, #tpu.memory_space<vmem>> -> memref<1x64xf32, #tpu.memory_space<vmem>>
        %dma_start3A_155 = arith.constant 0 : i32
        %dma_start3A_156 = tpu.memref_slice %arg3[%squeeze3A_144, %dma_start3A_155] : memref<1000000x64xf32, #tpu.memory_space<hbm>> -> memref<1x64xf32, #tpu.memory_space<hbm>>
        tpu.enqueue_dma source(%dma_start3A_156 : memref<1x64xf32, #tpu.memory_space<hbm>>) target(%dma_start3A_154 : memref<1x64xf32, #tpu.memory_space<vmem>>) target_semaphore(%arg9 : memref<!tpu.dma_semaphore, #tpu.memory_space<semaphore_mem>>)
        %slice3A_157 = vector.extract_strided_slice %get3A_131 {offsets = [2], sizes = [1], strides = [1]} : vector<16xi32> to vector<1xi32>
        %squeeze3A_158 = vector.extract %slice3A_157[0] : i32 from vector<1xi32>
        %mul3A_159 = arith.constant 16 : i32
        %mul3A_160 = arith.muli %scan3A_126, %mul3A_159 : i32
        %add3A_161 = arith.constant 2 : i32
        %add3A_162 = arith.addi %mul3A_160, %add3A_161 : i32
        %dma_start3A_163 = arith.constant 0 : i32
        %dma_start3A_164 = tpu.memref_slice %arg7[%add3A_162, %dma_start3A_163] : memref<400x64xf32, #tpu.memory_space<vmem>> -> memref<1x64xf32, #tpu.memory_space<vmem>>
        %dma_start3A_165 = arith.constant 0 : i32
        %dma_start3A_166 = tpu.memref_slice %arg3[%squeeze3A_158, %dma_start3A_165] : memref<1000000x64xf32, #tpu.memory_space<hbm>> -> memref<1x64xf32, #tpu.memory_space<hbm>>
        %dma_start3A_167 = arith.constant 0 : i32
        %dma_start3A_168 = tpu.memref_slice %arg7[%add3A_162, %dma_start3A_167] : memref<400x64xf32, #tpu.memory_space<vmem>> -> memref<1x64xf32, #tpu.memory_space<vmem>>
        %dma_start3A_169 = arith.constant 0 : i32
        %dma_start3A_170 = tpu.memref_slice %arg3[%squeeze3A_158, %dma_start3A_169] : memref<1000000x64xf32, #tpu.memory_space<hbm>> -> memref<1x64xf32, #tpu.memory_space<hbm>>
        tpu.enqueue_dma source(%dma_start3A_170 : memref<1x64xf32, #tpu.memory_space<hbm>>) target(%dma_start3A_168 : memref<1x64xf32, #tpu.memory_space<vmem>>) target_semaphore(%arg9 : memref<!tpu.dma_semaphore, #tpu.memory_space<semaphore_mem>>)
        %slice3A_171 = vector.extract_strided_slice %get3A_131 {offsets = [3], sizes = [1], strides = [1]} : vector<16xi32> to vector<1xi32>
        %squeeze3A_172 = vector.extract %slice3A_171[0] : i32 from vector<1xi32>
        %mul3A_173 = arith.constant 16 : i32
        %mul3A_174 = arith.muli %scan3A_126, %mul3A_173 : i32
        %add3A_175 = arith.constant 3 : i32
        %add3A_176 = arith.addi %mul3A_174, %add3A_175 : i32
        %dma_start3A_177 = arith.constant 0 : i32
        %dma_start3A_178 = tpu.memref_slice %arg7[%add3A_176, %dma_start3A_177] : memref<400x64xf32, #tpu.memory_space<vmem>> -> memref<1x64xf32, #tpu.memory_space<vmem>>
        %dma_start3A_179 = arith.constant 0 : i32
        %dma_start3A_180 = tpu.memref_slice %arg3[%squeeze3A_172, %dma_start3A_179] : memref<1000000x64xf32, #tpu.memory_space<hbm>> -> memref<1x64xf32, #tpu.memory_space<hbm>>
        %dma_start3A_181 = arith.constant 0 : i32
        %dma_start3A_182 = tpu.memref_slice %arg7[%add3A_176, %dma_start3A_181] : memref<400x64xf32, #tpu.memory_space<vmem>> -> memref<1x64xf32, #tpu.memory_space<vmem>>
        %dma_start3A_183 = arith.constant 0 : i32
        %dma_start3A_184 = tpu.memref_slice %arg3[%squeeze3A_172, %dma_start3A_183] : memref<1000000x64xf32, #tpu.memory_space<hbm>> -> memref<1x64xf32, #tpu.memory_space<hbm>>
        tpu.enqueue_dma source(%dma_start3A_184 : memref<1x64xf32, #tpu.memory_space<hbm>>) target(%dma_start3A_182 : memref<1x64xf32, #tpu.memory_space<vmem>>) target_semaphore(%arg9 : memref<!tpu.dma_semaphore, #tpu.memory_space<semaphore_mem>>)
        %slice3A_185 = vector.extract_strided_slice %get3A_131 {offsets = [4], sizes = [1], strides = [1]} : vector<16xi32> to vector<1xi32>
        %squeeze3A_186 = vector.extract %slice3A_185[0] : i32 from vector<1xi32>
        %mul3A_187 = arith.constant 16 : i32
        %mul3A_188 = arith.muli %scan3A_126, %mul3A_187 : i32
        %add3A_189 = arith.constant 4 : i32
        %add3A_190 = arith.addi %mul3A_188, %add3A_189 : i32
        %dma_start3A_191 = arith.constant 0 : i32
        %dma_start3A_192 = tpu.memref_slice %arg7[%add3A_190, %dma_start3A_191] : memref<400x64xf32, #tpu.memory_space<vmem>> -> memref<1x64xf32, #tpu.memory_space<vmem>>
        %dma_start3A_193 = arith.constant 0 : i32
        %dma_start3A_194 = tpu.memref_slice %arg3[%squeeze3A_186, %dma_start3A_193] : memref<1000000x64xf32, #tpu.memory_space<hbm>> -> memref<1x64xf32, #tpu.memory_space<hbm>>
        %dma_start3A_195 = arith.constant 0 : i32
        %dma_start3A_196 = tpu.memref_slice %arg7[%add3A_190, %dma_start3A_195] : memref<400x64xf32, #tpu.memory_space<vmem>> -> memref<1x64xf32, #tpu.memory_space<vmem>>
        %dma_start3A_197 = arith.constant 0 : i32
        %dma_start3A_198 = tpu.memref_slice %arg3[%squeeze3A_186, %dma_start3A_197] : memref<1000000x64xf32, #tpu.memory_space<hbm>> -> memref<1x64xf32, #tpu.memory_space<hbm>>
        tpu.enqueue_dma source(%dma_start3A_198 : memref<1x64xf32, #tpu.memory_space<hbm>>) target(%dma_start3A_196 : memref<1x64xf32, #tpu.memory_space<vmem>>) target_semaphore(%arg9 : memref<!tpu.dma_semaphore, #tpu.memory_space<semaphore_mem>>)
        %slice3A_199 = vector.extract_strided_slice %get3A_131 {offsets = [5], sizes = [1], strides = [1]} : vector<16xi32> to vector<1xi32>
        %squeeze3A_200 = vector.extract %slice3A_199[0] : i32 from vector<1xi32>
        %mul3A_201 = arith.constant 16 : i32
        %mul3A_202 = arith.muli %scan3A_126, %mul3A_201 : i32
        %add3A_203 = arith.constant 5 : i32
        %add3A_204 = arith.addi %mul3A_202, %add3A_203 : i32
        %dma_start3A_205 = arith.constant 0 : i32
        %dma_start3A_206 = tpu.memref_slice %arg7[%add3A_204, %dma_start3A_205] : memref<400x64xf32, #tpu.memory_space<vmem>> -> memref<1x64xf32, #tpu.memory_space<vmem>>
        %dma_start3A_207 = arith.constant 0 : i32
        %dma_start3A_208 = tpu.memref_slice %arg3[%squeeze3A_200, %dma_start3A_207] : memref<1000000x64xf32, #tpu.memory_space<hbm>> -> memref<1x64xf32, #tpu.memory_space<hbm>>
        %dma_start3A_209 = arith.constant 0 : i32
        %dma_start3A_210 = tpu.memref_slice %arg7[%add3A_204, %dma_start3A_209] : memref<400x64xf32, #tpu.memory_space<vmem>> -> memref<1x64xf32, #tpu.memory_space<vmem>>
        %dma_start3A_211 = arith.constant 0 : i32
        %dma_start3A_212 = tpu.memref_slice %arg3[%squeeze3A_200, %dma_start3A_211] : memref<1000000x64xf32, #tpu.memory_space<hbm>> -> memref<1x64xf32, #tpu.memory_space<hbm>>
        tpu.enqueue_dma source(%dma_start3A_212 : memref<1x64xf32, #tpu.memory_space<hbm>>) target(%dma_start3A_210 : memref<1x64xf32, #tpu.memory_space<vmem>>) target_semaphore(%arg9 : memref<!tpu.dma_semaphore, #tpu.memory_space<semaphore_mem>>)
        %slice3A_213 = vector.extract_strided_slice %get3A_131 {offsets = [6], sizes = [1], strides = [1]} : vector<16xi32> to vector<1xi32>
        %squeeze3A_214 = vector.extract %slice3A_213[0] : i32 from vector<1xi32>
        %mul3A_215 = arith.constant 16 : i32
        %mul3A_216 = arith.muli %scan3A_126, %mul3A_215 : i32
        %add3A_217 = arith.constant 6 : i32
        %add3A_218 = arith.addi %mul3A_216, %add3A_217 : i32
        %dma_start3A_219 = arith.constant 0 : i32
        %dma_start3A_220 = tpu.memref_slice %arg7[%add3A_218, %dma_start3A_219] : memref<400x64xf32, #tpu.memory_space<vmem>> -> memref<1x64xf32, #tpu.memory_space<vmem>>
        %dma_start3A_221 = arith.constant 0 : i32
        %dma_start3A_222 = tpu.memref_slice %arg3[%squeeze3A_214, %dma_start3A_221] : memref<1000000x64xf32, #tpu.memory_space<hbm>> -> memref<1x64xf32, #tpu.memory_space<hbm>>
        %dma_start3A_223 = arith.constant 0 : i32
        %dma_start3A_224 = tpu.memref_slice %arg7[%add3A_218, %dma_start3A_223] : memref<400x64xf32, #tpu.memory_space<vmem>> -> memref<1x64xf32, #tpu.memory_space<vmem>>
        %dma_start3A_225 = arith.constant 0 : i32
        %dma_start3A_226 = tpu.memref_slice %arg3[%squeeze3A_214, %dma_start3A_225] : memref<1000000x64xf32, #tpu.memory_space<hbm>> -> memref<1x64xf32, #tpu.memory_space<hbm>>
        tpu.enqueue_dma source(%dma_start3A_226 : memref<1x64xf32, #tpu.memory_space<hbm>>) target(%dma_start3A_224 : memref<1x64xf32, #tpu.memory_space<vmem>>) target_semaphore(%arg9 : memref<!tpu.dma_semaphore, #tpu.memory_space<semaphore_mem>>)
        %slice3A_227 = vector.extract_strided_slice %get3A_131 {offsets = [7], sizes = [1], strides = [1]} : vector<16xi32> to vector<1xi32>
        %squeeze3A_228 = vector.extract %slice3A_227[0] : i32 from vector<1xi32>
        %mul3A_229 = arith.constant 16 : i32
        %mul3A_230 = arith.muli %scan3A_126, %mul3A_229 : i32
        %add3A_231 = arith.constant 7 : i32
        %add3A_232 = arith.addi %mul3A_230, %add3A_231 : i32
        %dma_start3A_233 = arith.constant 0 : i32
        %dma_start3A_234 = tpu.memref_slice %arg7[%add3A_232, %dma_start3A_233] : memref<400x64xf32, #tpu.memory_space<vmem>> -> memref<1x64xf32, #tpu.memory_space<vmem>>
        %dma_start3A_235 = arith.constant 0 : i32
        %dma_start3A_236 = tpu.memref_slice %arg3[%squeeze3A_228, %dma_start3A_235] : memref<1000000x64xf32, #tpu.memory_space<hbm>> -> memref<1x64xf32, #tpu.memory_space<hbm>>
        %dma_start3A_237 = arith.constant 0 : i32
        %dma_start3A_238 = tpu.memref_slice %arg7[%add3A_232, %dma_start3A_237] : memref<400x64xf32, #tpu.memory_space<vmem>> -> memref<1x64xf32, #tpu.memory_space<vmem>>
        %dma_start3A_239 = arith.constant 0 : i32
        %dma_start3A_240 = tpu.memref_slice %arg3[%squeeze3A_228, %dma_start3A_239] : memref<1000000x64xf32, #tpu.memory_space<hbm>> -> memref<1x64xf32, #tpu.memory_space<hbm>>
        tpu.enqueue_dma source(%dma_start3A_240 : memref<1x64xf32, #tpu.memory_space<hbm>>) target(%dma_start3A_238 : memref<1x64xf32, #tpu.memory_space<vmem>>) target_semaphore(%arg9 : memref<!tpu.dma_semaphore, #tpu.memory_space<semaphore_mem>>)
        %slice3A_241 = vector.extract_strided_slice %get3A_131 {offsets = [8], sizes = [1], strides = [1]} : vector<16xi32> to vector<1xi32>
        %squeeze3A_242 = vector.extract %slice3A_241[0] : i32 from vector<1xi32>
        %mul3A_243 = arith.constant 16 : i32
        %mul3A_244 = arith.muli %scan3A_126, %mul3A_243 : i32
        %add3A_245 = arith.constant 8 : i32
        %add3A_246 = arith.addi %mul3A_244, %add3A_245 : i32
        %dma_start3A_247 = arith.constant 0 : i32
        %dma_start3A_248 = tpu.memref_slice %arg7[%add3A_246, %dma_start3A_247] : memref<400x64xf32, #tpu.memory_space<vmem>> -> memref<1x64xf32, #tpu.memory_space<vmem>>
        %dma_start3A_249 = arith.constant 0 : i32
        %dma_start3A_250 = tpu.memref_slice %arg3[%squeeze3A_242, %dma_start3A_249] : memref<1000000x64xf32, #tpu.memory_space<hbm>> -> memref<1x64xf32, #tpu.memory_space<hbm>>
        %dma_start3A_251 = arith.constant 0 : i32
        %dma_start3A_252 = tpu.memref_slice %arg7[%add3A_246, %dma_start3A_251] : memref<400x64xf32, #tpu.memory_space<vmem>> -> memref<1x64xf32, #tpu.memory_space<vmem>>
        %dma_start3A_253 = arith.constant 0 : i32
        %dma_start3A_254 = tpu.memref_slice %arg3[%squeeze3A_242, %dma_start3A_253] : memref<1000000x64xf32, #tpu.memory_space<hbm>> -> memref<1x64xf32, #tpu.memory_space<hbm>>
        tpu.enqueue_dma source(%dma_start3A_254 : memref<1x64xf32, #tpu.memory_space<hbm>>) target(%dma_start3A_252 : memref<1x64xf32, #tpu.memory_space<vmem>>) target_semaphore(%arg9 : memref<!tpu.dma_semaphore, #tpu.memory_space<semaphore_mem>>)
        %slice3A_255 = vector.extract_strided_slice %get3A_131 {offsets = [9], sizes = [1], strides = [1]} : vector<16xi32> to vector<1xi32>
        %squeeze3A_256 = vector.extract %slice3A_255[0] : i32 from vector<1xi32>
        %mul3A_257 = arith.constant 16 : i32
        %mul3A_258 = arith.muli %scan3A_126, %mul3A_257 : i32
        %add3A_259 = arith.constant 9 : i32
        %add3A_260 = arith.addi %mul3A_258, %add3A_259 : i32
        %dma_start3A_261 = arith.constant 0 : i32
        %dma_start3A_262 = tpu.memref_slice %arg7[%add3A_260, %dma_start3A_261] : memref<400x64xf32, #tpu.memory_space<vmem>> -> memref<1x64xf32, #tpu.memory_space<vmem>>
        %dma_start3A_263 = arith.constant 0 : i32
        %dma_start3A_264 = tpu.memref_slice %arg3[%squeeze3A_256, %dma_start3A_263] : memref<1000000x64xf32, #tpu.memory_space<hbm>> -> memref<1x64xf32, #tpu.memory_space<hbm>>
        %dma_start3A_265 = arith.constant 0 : i32
        %dma_start3A_266 = tpu.memref_slice %arg7[%add3A_260, %dma_start3A_265] : memref<400x64xf32, #tpu.memory_space<vmem>> -> memref<1x64xf32, #tpu.memory_space<vmem>>
        %dma_start3A_267 = arith.constant 0 : i32
        %dma_start3A_268 = tpu.memref_slice %arg3[%squeeze3A_256, %dma_start3A_267] : memref<1000000x64xf32, #tpu.memory_space<hbm>> -> memref<1x64xf32, #tpu.memory_space<hbm>>
        tpu.enqueue_dma source(%dma_start3A_268 : memref<1x64xf32, #tpu.memory_space<hbm>>) target(%dma_start3A_266 : memref<1x64xf32, #tpu.memory_space<vmem>>) target_semaphore(%arg9 : memref<!tpu.dma_semaphore, #tpu.memory_space<semaphore_mem>>)
        %slice3A_269 = vector.extract_strided_slice %get3A_131 {offsets = [10], sizes = [1], strides = [1]} : vector<16xi32> to vector<1xi32>
        %squeeze3A_270 = vector.extract %slice3A_269[0] : i32 from vector<1xi32>
        %mul3A_271 = arith.constant 16 : i32
        %mul3A_272 = arith.muli %scan3A_126, %mul3A_271 : i32
        %add3A_273 = arith.constant 10 : i32
        %add3A_274 = arith.addi %mul3A_272, %add3A_273 : i32
        %dma_start3A_275 = arith.constant 0 : i32
        %dma_start3A_276 = tpu.memref_slice %arg7[%add3A_274, %dma_start3A_275] : memref<400x64xf32, #tpu.memory_space<vmem>> -> memref<1x64xf32, #tpu.memory_space<vmem>>
        %dma_start3A_277 = arith.constant 0 : i32
        %dma_start3A_278 = tpu.memref_slice %arg3[%squeeze3A_270, %dma_start3A_277] : memref<1000000x64xf32, #tpu.memory_space<hbm>> -> memref<1x64xf32, #tpu.memory_space<hbm>>
        %dma_start3A_279 = arith.constant 0 : i32
        %dma_start3A_280 = tpu.memref_slice %arg7[%add3A_274, %dma_start3A_279] : memref<400x64xf32, #tpu.memory_space<vmem>> -> memref<1x64xf32, #tpu.memory_space<vmem>>
        %dma_start3A_281 = arith.constant 0 : i32
        %dma_start3A_282 = tpu.memref_slice %arg3[%squeeze3A_270, %dma_start3A_281] : memref<1000000x64xf32, #tpu.memory_space<hbm>> -> memref<1x64xf32, #tpu.memory_space<hbm>>
        tpu.enqueue_dma source(%dma_start3A_282 : memref<1x64xf32, #tpu.memory_space<hbm>>) target(%dma_start3A_280 : memref<1x64xf32, #tpu.memory_space<vmem>>) target_semaphore(%arg9 : memref<!tpu.dma_semaphore, #tpu.memory_space<semaphore_mem>>)
        %slice3A_283 = vector.extract_strided_slice %get3A_131 {offsets = [11], sizes = [1], strides = [1]} : vector<16xi32> to vector<1xi32>
        %squeeze3A_284 = vector.extract %slice3A_283[0] : i32 from vector<1xi32>
        %mul3A_285 = arith.constant 16 : i32
        %mul3A_286 = arith.muli %scan3A_126, %mul3A_285 : i32
        %add3A_287 = arith.constant 11 : i32
        %add3A_288 = arith.addi %mul3A_286, %add3A_287 : i32
        %dma_start3A_289 = arith.constant 0 : i32
        %dma_start3A_290 = tpu.memref_slice %arg7[%add3A_288, %dma_start3A_289] : memref<400x64xf32, #tpu.memory_space<vmem>> -> memref<1x64xf32, #tpu.memory_space<vmem>>
        %dma_start3A_291 = arith.constant 0 : i32
        %dma_start3A_292 = tpu.memref_slice %arg3[%squeeze3A_284, %dma_start3A_291] : memref<1000000x64xf32, #tpu.memory_space<hbm>> -> memref<1x64xf32, #tpu.memory_space<hbm>>
        %dma_start3A_293 = arith.constant 0 : i32
        %dma_start3A_294 = tpu.memref_slice %arg7[%add3A_288, %dma_start3A_293] : memref<400x64xf32, #tpu.memory_space<vmem>> -> memref<1x64xf32, #tpu.memory_space<vmem>>
        %dma_start3A_295 = arith.constant 0 : i32
        %dma_start3A_296 = tpu.memref_slice %arg3[%squeeze3A_284, %dma_start3A_295] : memref<1000000x64xf32, #tpu.memory_space<hbm>> -> memref<1x64xf32, #tpu.memory_space<hbm>>
        tpu.enqueue_dma source(%dma_start3A_296 : memref<1x64xf32, #tpu.memory_space<hbm>>) target(%dma_start3A_294 : memref<1x64xf32, #tpu.memory_space<vmem>>) target_semaphore(%arg9 : memref<!tpu.dma_semaphore, #tpu.memory_space<semaphore_mem>>)
        %slice3A_297 = vector.extract_strided_slice %get3A_131 {offsets = [12], sizes = [1], strides = [1]} : vector<16xi32> to vector<1xi32>
        %squeeze3A_298 = vector.extract %slice3A_297[0] : i32 from vector<1xi32>
        %mul3A_299 = arith.constant 16 : i32
        %mul3A_300 = arith.muli %scan3A_126, %mul3A_299 : i32
        %add3A_301 = arith.constant 12 : i32
        %add3A_302 = arith.addi %mul3A_300, %add3A_301 : i32
        %dma_start3A_303 = arith.constant 0 : i32
        %dma_start3A_304 = tpu.memref_slice %arg7[%add3A_302, %dma_start3A_303] : memref<400x64xf32, #tpu.memory_space<vmem>> -> memref<1x64xf32, #tpu.memory_space<vmem>>
        %dma_start3A_305 = arith.constant 0 : i32
        %dma_start3A_306 = tpu.memref_slice %arg3[%squeeze3A_298, %dma_start3A_305] : memref<1000000x64xf32, #tpu.memory_space<hbm>> -> memref<1x64xf32, #tpu.memory_space<hbm>>
        %dma_start3A_307 = arith.constant 0 : i32
        %dma_start3A_308 = tpu.memref_slice %arg7[%add3A_302, %dma_start3A_307] : memref<400x64xf32, #tpu.memory_space<vmem>> -> memref<1x64xf32, #tpu.memory_space<vmem>>
        %dma_start3A_309 = arith.constant 0 : i32
        %dma_start3A_310 = tpu.memref_slice %arg3[%squeeze3A_298, %dma_start3A_309] : memref<1000000x64xf32, #tpu.memory_space<hbm>> -> memref<1x64xf32, #tpu.memory_space<hbm>>
        tpu.enqueue_dma source(%dma_start3A_310 : memref<1x64xf32, #tpu.memory_space<hbm>>) target(%dma_start3A_308 : memref<1x64xf32, #tpu.memory_space<vmem>>) target_semaphore(%arg9 : memref<!tpu.dma_semaphore, #tpu.memory_space<semaphore_mem>>)
        %slice3A_311 = vector.extract_strided_slice %get3A_131 {offsets = [13], sizes = [1], strides = [1]} : vector<16xi32> to vector<1xi32>
        %squeeze3A_312 = vector.extract %slice3A_311[0] : i32 from vector<1xi32>
        %mul3A_313 = arith.constant 16 : i32
        %mul3A_314 = arith.muli %scan3A_126, %mul3A_313 : i32
        %add3A_315 = arith.constant 13 : i32
        %add3A_316 = arith.addi %mul3A_314, %add3A_315 : i32
        %dma_start3A_317 = arith.constant 0 : i32
        %dma_start3A_318 = tpu.memref_slice %arg7[%add3A_316, %dma_start3A_317] : memref<400x64xf32, #tpu.memory_space<vmem>> -> memref<1x64xf32, #tpu.memory_space<vmem>>
        %dma_start3A_319 = arith.constant 0 : i32
        %dma_start3A_320 = tpu.memref_slice %arg3[%squeeze3A_312, %dma_start3A_319] : memref<1000000x64xf32, #tpu.memory_space<hbm>> -> memref<1x64xf32, #tpu.memory_space<hbm>>
        %dma_start3A_321 = arith.constant 0 : i32
        %dma_start3A_322 = tpu.memref_slice %arg7[%add3A_316, %dma_start3A_321] : memref<400x64xf32, #tpu.memory_space<vmem>> -> memref<1x64xf32, #tpu.memory_space<vmem>>
        %dma_start3A_323 = arith.constant 0 : i32
        %dma_start3A_324 = tpu.memref_slice %arg3[%squeeze3A_312, %dma_start3A_323] : memref<1000000x64xf32, #tpu.memory_space<hbm>> -> memref<1x64xf32, #tpu.memory_space<hbm>>
        tpu.enqueue_dma source(%dma_start3A_324 : memref<1x64xf32, #tpu.memory_space<hbm>>) target(%dma_start3A_322 : memref<1x64xf32, #tpu.memory_space<vmem>>) target_semaphore(%arg9 : memref<!tpu.dma_semaphore, #tpu.memory_space<semaphore_mem>>)
        %slice3A_325 = vector.extract_strided_slice %get3A_131 {offsets = [14], sizes = [1], strides = [1]} : vector<16xi32> to vector<1xi32>
        %squeeze3A_326 = vector.extract %slice3A_325[0] : i32 from vector<1xi32>
        %mul3A_327 = arith.constant 16 : i32
        %mul3A_328 = arith.muli %scan3A_126, %mul3A_327 : i32
        %add3A_329 = arith.constant 14 : i32
        %add3A_330 = arith.addi %mul3A_328, %add3A_329 : i32
        %dma_start3A_331 = arith.constant 0 : i32
        %dma_start3A_332 = tpu.memref_slice %arg7[%add3A_330, %dma_start3A_331] : memref<400x64xf32, #tpu.memory_space<vmem>> -> memref<1x64xf32, #tpu.memory_space<vmem>>
        %dma_start3A_333 = arith.constant 0 : i32
        %dma_start3A_334 = tpu.memref_slice %arg3[%squeeze3A_326, %dma_start3A_333] : memref<1000000x64xf32, #tpu.memory_space<hbm>> -> memref<1x64xf32, #tpu.memory_space<hbm>>
        %dma_start3A_335 = arith.constant 0 : i32
        %dma_start3A_336 = tpu.memref_slice %arg7[%add3A_330, %dma_start3A_335] : memref<400x64xf32, #tpu.memory_space<vmem>> -> memref<1x64xf32, #tpu.memory_space<vmem>>
        %dma_start3A_337 = arith.constant 0 : i32
        %dma_start3A_338 = tpu.memref_slice %arg3[%squeeze3A_326, %dma_start3A_337] : memref<1000000x64xf32, #tpu.memory_space<hbm>> -> memref<1x64xf32, #tpu.memory_space<hbm>>
        tpu.enqueue_dma source(%dma_start3A_338 : memref<1x64xf32, #tpu.memory_space<hbm>>) target(%dma_start3A_336 : memref<1x64xf32, #tpu.memory_space<vmem>>) target_semaphore(%arg9 : memref<!tpu.dma_semaphore, #tpu.memory_space<semaphore_mem>>)
        %slice3A_339 = vector.extract_strided_slice %get3A_131 {offsets = [15], sizes = [1], strides = [1]} : vector<16xi32> to vector<1xi32>
        %squeeze3A_340 = vector.extract %slice3A_339[0] : i32 from vector<1xi32>
        %mul3A_341 = arith.constant 16 : i32
        %mul3A_342 = arith.muli %scan3A_126, %mul3A_341 : i32
        %add3A_343 = arith.constant 15 : i32
        %add3A_344 = arith.addi %mul3A_342, %add3A_343 : i32
        %dma_start3A_345 = arith.constant 0 : i32
        %dma_start3A_346 = tpu.memref_slice %arg7[%add3A_344, %dma_start3A_345] : memref<400x64xf32, #tpu.memory_space<vmem>> -> memref<1x64xf32, #tpu.memory_space<vmem>>
        %dma_start3A_347 = arith.constant 0 : i32
        %dma_start3A_348 = tpu.memref_slice %arg3[%squeeze3A_340, %dma_start3A_347] : memref<1000000x64xf32, #tpu.memory_space<hbm>> -> memref<1x64xf32, #tpu.memory_space<hbm>>
        %dma_start3A_349 = arith.constant 0 : i32
        %dma_start3A_350 = tpu.memref_slice %arg7[%add3A_344, %dma_start3A_349] : memref<400x64xf32, #tpu.memory_space<vmem>> -> memref<1x64xf32, #tpu.memory_space<vmem>>
        %dma_start3A_351 = arith.constant 0 : i32
        %dma_start3A_352 = tpu.memref_slice %arg3[%squeeze3A_340, %dma_start3A_351] : memref<1000000x64xf32, #tpu.memory_space<hbm>> -> memref<1x64xf32, #tpu.memory_space<hbm>>
        tpu.enqueue_dma source(%dma_start3A_352 : memref<1x64xf32, #tpu.memory_space<hbm>>) target(%dma_start3A_350 : memref<1x64xf32, #tpu.memory_space<vmem>>) target_semaphore(%arg9 : memref<!tpu.dma_semaphore, #tpu.memory_space<semaphore_mem>>)
        %ge3A = arith.constant 16 : i32
        %ge3A_353 = arith.cmpi sge, %scan3A_126, %ge3A : i32
        %convert_element_type3A_354 = arith.extui %ge3A_353 : i1 to i32
        %cond3A_355 = arith.constant 0 : i32
        %cond3A_356 = arith.cmpi ne, %convert_element_type3A_354, %cond3A_355 : i32
        scf.if %cond3A_356 {
          %dma_wait3A_358 = arith.constant 0 : i32
          %dma_wait3A_359 = arith.constant 0 : i32
          %dma_wait3A_360 = tpu.memref_slice %arg7[%dma_wait3A_358, %dma_wait3A_359] : memref<400x64xf32, #tpu.memory_space<vmem>> -> memref<16x64xf32, #tpu.memory_space<vmem>>
          %dma_wait3A_361 = arith.constant 0 : i32
          %dma_wait3A_362 = arith.constant 0 : i32
          %dma_wait3A_363 = tpu.memref_slice %arg3[%dma_wait3A_361, %dma_wait3A_362] : memref<1000000x64xf32, #tpu.memory_space<hbm>> -> memref<16x64xf32, #tpu.memory_space<hbm>>
          %dma_wait3A_364 = arith.constant 0 : i32
          %dma_wait3A_365 = arith.constant 0 : i32
          %dma_wait3A_366 = tpu.memref_slice %arg7[%dma_wait3A_364, %dma_wait3A_365] : memref<400x64xf32, #tpu.memory_space<vmem>> -> memref<16x64xf32, #tpu.memory_space<vmem>>
          %dma_wait3A_367 = arith.constant 0 : i32
          %dma_wait3A_368 = arith.constant 0 : i32
          %dma_wait3A_369 = tpu.memref_slice %arg3[%dma_wait3A_367, %dma_wait3A_368] : memref<1000000x64xf32, #tpu.memory_space<hbm>> -> memref<16x64xf32, #tpu.memory_space<hbm>>
          tpu.wait_dma2 semaphore(%arg9 : memref<!tpu.dma_semaphore, #tpu.memory_space<semaphore_mem>>) src(%dma_wait3A_369 : memref<16x64xf32, #tpu.memory_space<hbm>>) dst(%dma_wait3A_366 : memref<16x64xf32, #tpu.memory_space<vmem>>)
        } else {
        }
        %scan3A_357 = arith.constant 0 : i32
        scf.yield %scan3A_357 : i32
      }
      %scan3A_42 = arith.constant 25 : i32
      %dma_wait3A_43 = arith.constant 0 : i32
      %dma_wait3A_44 = arith.constant 0 : i32
      %dma_wait3A_45 = tpu.memref_slice %arg7[%dma_wait3A_43, %dma_wait3A_44] : memref<400x64xf32, #tpu.memory_space<vmem>> -> memref<256x64xf32, #tpu.memory_space<vmem>>
      %dma_wait3A_46 = arith.constant 0 : i32
      %dma_wait3A_47 = arith.constant 0 : i32
      %dma_wait3A_48 = tpu.memref_slice %arg3[%dma_wait3A_46, %dma_wait3A_47] : memref<1000000x64xf32, #tpu.memory_space<hbm>> -> memref<256x64xf32, #tpu.memory_space<hbm>>
      %dma_wait3A_49 = arith.constant 0 : i32
      %dma_wait3A_50 = arith.constant 0 : i32
      %dma_wait3A_51 = tpu.memref_slice %arg7[%dma_wait3A_49, %dma_wait3A_50] : memref<400x64xf32, #tpu.memory_space<vmem>> -> memref<256x64xf32, #tpu.memory_space<vmem>>
      %dma_wait3A_52 = arith.constant 0 : i32
      %dma_wait3A_53 = arith.constant 0 : i32
      %dma_wait3A_54 = tpu.memref_slice %arg3[%dma_wait3A_52, %dma_wait3A_53] : memref<1000000x64xf32, #tpu.memory_space<hbm>> -> memref<256x64xf32, #tpu.memory_space<hbm>>
      tpu.wait_dma2 semaphore(%arg9 : memref<!tpu.dma_semaphore, #tpu.memory_space<semaphore_mem>>) src(%dma_wait3A_54 : memref<256x64xf32, #tpu.memory_space<hbm>>) dst(%dma_wait3A_51 : memref<256x64xf32, #tpu.memory_space<vmem>>)
      %scan3A_55 = arith.constant 0 : i32
      %scan3A_56 = arith.constant 0 : i32
      %scan3A_57 = arith.constant 400 : i32
      %scan3A_58 = arith.addi %scan3A_56, %scan3A_57 : i32
      %scan3A_59 = arith.constant 1 : i32
      %scan3A_60 = scf.for %scan3A_126 = %scan3A_56 to %scan3A_58 step %scan3A_59 iter_args(%scan3A_127 = %scan3A_55) -> (i32)  : i32 {
        %get3A = arith.index_cast %scan3A_126 : i32 to index
        %get3A_128 = arith.constant 0 : index
        %get3A_129 = tpu.vector_load %arg7[%get3A, %get3A_128] {strides = array<i32>} : memref<400x64xf32, #tpu.memory_space<vmem>>, vector<1x16xf32>,
        %get3A_130 = vector.shape_cast %get3A_129 : vector<1x16xf32> to vector<16xf32>
        %mul3A_131 = arith.constant 8.000000e+00 : f32
        %mul3A_132 = vector.broadcast %mul3A_131 : f32 to vector<16xf32>
        %mul3A_133 = arith.mulf %get3A_130, %mul3A_132 : vector<16xf32>
        %swap3A = arith.index_cast %scan3A_126 : i32 to index
        %swap3A_134 = arith.constant 0 : index
        %swap3A_135 = tpu.vector_load %arg7[%swap3A, %swap3A_134] {strides = array<i32>} : memref<400x64xf32, #tpu.memory_space<vmem>>, vector<1x16xf32>,
        %swap3A_136 = vector.shape_cast %swap3A_135 : vector<1x16xf32> to vector<16xf32>
        %swap3A_137 = vector.shape_cast %mul3A_133 : vector<16xf32> to vector<1x16xf32>
        tpu.vector_store %arg7[%swap3A, %swap3A_134], %swap3A_137 {strides = array<i32>} : memref<400x64xf32, #tpu.memory_space<vmem>>, vector<1x16xf32>,
        %get3A_138 = arith.index_cast %scan3A_126 : i32 to index
        %get3A_139 = arith.constant 16 : index
        %get3A_140 = tpu.vector_load %arg7[%get3A_138, %get3A_139] {strides = array<i32>} : memref<400x64xf32, #tpu.memory_space<vmem>>, vector<1x16xf32>,
        %get3A_141 = vector.shape_cast %get3A_140 : vector<1x16xf32> to vector<16xf32>
        %mul3A_142 = arith.constant 8.000000e+00 : f32
        %mul3A_143 = vector.broadcast %mul3A_142 : f32 to vector<16xf32>
        %mul3A_144 = arith.mulf %get3A_141, %mul3A_143 : vector<16xf32>
        %swap3A_145 = arith.index_cast %scan3A_126 : i32 to index
        %swap3A_146 = arith.constant 16 : index
        %swap3A_147 = tpu.vector_load %arg7[%swap3A_145, %swap3A_146] {strides = array<i32>} : memref<400x64xf32, #tpu.memory_space<vmem>>, vector<1x16xf32>,
        %swap3A_148 = vector.shape_cast %swap3A_147 : vector<1x16xf32> to vector<16xf32>
        %swap3A_149 = vector.shape_cast %mul3A_144 : vector<16xf32> to vector<1x16xf32>
        tpu.vector_store %arg7[%swap3A_145, %swap3A_146], %swap3A_149 {strides = array<i32>} : memref<400x64xf32, #tpu.memory_space<vmem>>, vector<1x16xf32>,
        %get3A_150 = arith.index_cast %scan3A_126 : i32 to index
        %get3A_151 = arith.constant 32 : index
        %get3A_152 = tpu.vector_load %arg7[%get3A_150, %get3A_151] {strides = array<i32>} : memref<400x64xf32, #tpu.memory_space<vmem>>, vector<1x16xf32>,
        %get3A_153 = vector.shape_cast %get3A_152 : vector<1x16xf32> to vector<16xf32>
        %mul3A_154 = arith.constant 8.000000e+00 : f32
        %mul3A_155 = vector.broadcast %mul3A_154 : f32 to vector<16xf32>
        %mul3A_156 = arith.mulf %get3A_153, %mul3A_155 : vector<16xf32>
        %swap3A_157 = arith.index_cast %scan3A_126 : i32 to index
        %swap3A_158 = arith.constant 32 : index
        %swap3A_159 = tpu.vector_load %arg7[%swap3A_157, %swap3A_158] {strides = array<i32>} : memref<400x64xf32, #tpu.memory_space<vmem>>, vector<1x16xf32>,
        %swap3A_160 = vector.shape_cast %swap3A_159 : vector<1x16xf32> to vector<16xf32>
        %swap3A_161 = vector.shape_cast %mul3A_156 : vector<16xf32> to vector<1x16xf32>
        tpu.vector_store %arg7[%swap3A_157, %swap3A_158], %swap3A_161 {strides = array<i32>} : memref<400x64xf32, #tpu.memory_space<vmem>>, vector<1x16xf32>,
        %get3A_162 = arith.index_cast %scan3A_126 : i32 to index
        %get3A_163 = arith.constant 48 : index
        %get3A_164 = tpu.vector_load %arg7[%get3A_162, %get3A_163] {strides = array<i32>} : memref<400x64xf32, #tpu.memory_space<vmem>>, vector<1x16xf32>,
        %get3A_165 = vector.shape_cast %get3A_164 : vector<1x16xf32> to vector<16xf32>
        %mul3A_166 = arith.constant 8.000000e+00 : f32
        %mul3A_167 = vector.broadcast %mul3A_166 : f32 to vector<16xf32>
        %mul3A_168 = arith.mulf %get3A_165, %mul3A_167 : vector<16xf32>
        %swap3A_169 = arith.index_cast %scan3A_126 : i32 to index
        %swap3A_170 = arith.constant 48 : index
        %swap3A_171 = tpu.vector_load %arg7[%swap3A_169, %swap3A_170] {strides = array<i32>} : memref<400x64xf32, #tpu.memory_space<vmem>>, vector<1x16xf32>,
        %swap3A_172 = vector.shape_cast %swap3A_171 : vector<1x16xf32> to vector<16xf32>
        %swap3A_173 = vector.shape_cast %mul3A_168 : vector<16xf32> to vector<1x16xf32>
        tpu.vector_store %arg7[%swap3A_169, %swap3A_170], %swap3A_173 {strides = array<i32>} : memref<400x64xf32, #tpu.memory_space<vmem>>, vector<1x16xf32>,
        %scan3A_174 = arith.constant 0 : i32
        scf.yield %scan3A_174 : i32
      }
      %scan3A_61 = arith.constant 400 : i32
      %mul3A_62 = arith.constant 8 : i32
      %mul3A_63 = arith.muli %mul3A_27, %mul3A_62 : i32
      %add3A_64 = arith.addi %mul3A_2, %mul3A_63 : i32
      %scan3A_65 = arith.constant 0 : i32
      %scan3A_66 = arith.constant 0 : i32
      %scan3A_67 = arith.constant 8 : i32
      %scan3A_68 = arith.addi %scan3A_66, %scan3A_67 : i32
      %scan3A_69 = arith.constant 1 : i32
      %scan3A_70 = scf.for %scan3A_126 = %scan3A_66 to %scan3A_68 step %scan3A_69 iter_args(%scan3A_127 = %scan3A_65) -> (i32)  : i32 {
        %mul3A_128 = arith.constant 50 : i32
        %mul3A_129 = arith.muli %scan3A_126, %mul3A_128 : i32
        %add3A_130 = arith.addi %add3A_64, %scan3A_126 : i32
        %dma_start3A = arith.constant 0 : i32
        %dma_start3A_131 = tpu.memref_slice %arg7[%mul3A_129, %dma_start3A] : memref<400x64xf32, #tpu.memory_space<vmem>> -> memref<50x64xf32, #tpu.memory_space<vmem>>
        %dma_start3A_132 = arith.constant 0 : i32
        %dma_start3A_133 = arith.constant 0 : i32
        %dma_start3A_134 = tpu.memref_slice %arg4[%add3A_130, %dma_start3A_132, %dma_start3A_133] : memref<16384x50x64xf32, #tpu.memory_space<hbm>> -> memref<1x50x64xf32, #tpu.memory_space<hbm>>
        %dma_start3A_135 = tpu.memref_squeeze %dma_start3A_134 : memref<1x50x64xf32, #tpu.memory_space<hbm>> -> memref<50x64xf32, #tpu.memory_space<hbm>>
        %dma_start3A_136 = arith.constant 0 : i32
        %dma_start3A_137 = arith.constant 0 : i32
        %dma_start3A_138 = tpu.memref_slice %arg4[%add3A_130, %dma_start3A_136, %dma_start3A_137] : memref<16384x50x64xf32, #tpu.memory_space<hbm>> -> memref<1x50x64xf32, #tpu.memory_space<hbm>>
        %dma_start3A_139 = tpu.memref_squeeze %dma_start3A_138 : memref<1x50x64xf32, #tpu.memory_space<hbm>> -> memref<50x64xf32, #tpu.memory_space<hbm>>
        %dma_start3A_140 = arith.constant 0 : i32
        %dma_start3A_141 = tpu.memref_slice %arg7[%mul3A_129, %dma_start3A_140] : memref<400x64xf32, #tpu.memory_space<vmem>> -> memref<50x64xf32, #tpu.memory_space<vmem>>
        tpu.enqueue_dma source(%dma_start3A_141 : memref<50x64xf32, #tpu.memory_space<vmem>>) target(%dma_start3A_139 : memref<50x64xf32, #tpu.memory_space<hbm>>) target_semaphore(%arg11 : memref<!tpu.dma_semaphore, #tpu.memory_space<semaphore_mem>>)
        %scan3A_142 = arith.constant 0 : i32
        scf.yield %scan3A_142 : i32
      }
      %scan3A_71 = arith.constant 8 : i32
      %mul3A_72 = arith.constant 2 : i32
      %mul3A_73 = arith.muli %mul3A_72, %scan3A_24 : i32
      %add3A_74 = arith.constant 1 : i32
      %add3A_75 = arith.addi %mul3A_73, %add3A_74 : i32
      %eq3A_76 = arith.constant 0 : i32
      %eq3A_77 = arith.cmpi eq, %scan3A_24, %eq3A_76 : i32
      %mul3A_78 = arith.constant 8 : i32
      %mul3A_79 = arith.muli %add3A_75, %mul3A_78 : i32
      %add3A_80 = arith.addi %mul3A_2, %mul3A_79 : i32
      %mul3A_81 = arith.constant 50 : i32
      %mul3A_82 = arith.muli %add3A_80, %mul3A_81 : i32
      %multiple_of3A_83 = tpu.assume_multiple %mul3A_82, 400 : i32
      "tpu.region"() ({
        %run_scoped3A = tpu.sem_alloc : memref<!tpu.dma_semaphore, #tpu.memory_space<semaphore_mem>>
        %dma_start3A = tpu.memref_slice %arg2[%multiple_of3A_83] : memref<819200xi32, #tpu.memory_space<hbm>> -> memref<400xi32, #tpu.memory_space<hbm>>
        %dma_start3A_126 = tpu.memref_slice %arg2[%multiple_of3A_83] : memref<819200xi32, #tpu.memory_space<hbm>> -> memref<400xi32, #tpu.memory_space<hbm>>
        tpu.enqueue_dma source(%dma_start3A_126 : memref<400xi32, #tpu.memory_space<hbm>>) target(%arg6 : memref<400xi32, #tpu.memory_space<vmem>>) target_semaphore(%run_scoped3A : memref<!tpu.dma_semaphore, #tpu.memory_space<semaphore_mem>>)
        %dma_wait3A_127 = tpu.memref_slice %arg2[%multiple_of3A_83] : memref<819200xi32, #tpu.memory_space<hbm>> -> memref<400xi32, #tpu.memory_space<hbm>>
        %dma_wait3A_128 = tpu.memref_slice %arg2[%multiple_of3A_83] : memref<819200xi32, #tpu.memory_space<hbm>> -> memref<400xi32, #tpu.memory_space<hbm>>
        tpu.wait_dma2 semaphore(%run_scoped3A : memref<!tpu.dma_semaphore, #tpu.memory_space<semaphore_mem>>) src(%dma_wait3A_128 : memref<400xi32, #tpu.memory_space<hbm>>) dst(%arg6 : memref<400xi32, #tpu.memory_space<vmem>>)
        tpu.yield
      }) : () -> ()
      %not3A_84 = arith.constant true
      %not3A_85 = arith.xori %eq3A_77, %not3A_84 : i1
      %convert_element_type3A_86 = arith.extui %not3A_85 : i1 to i32
      %cond3A_87 = arith.constant 0 : i32
      %cond3A_88 = arith.cmpi ne, %convert_element_type3A_86, %cond3A_87 : i32
      scf.if %cond3A_88 {
        %dma_wait3A_126 = arith.constant 0 : i32
        %dma_wait3A_127 = arith.constant 0 : i32
        %dma_wait3A_128 = arith.constant 0 : i32
        %dma_wait3A_129 = tpu.memref_slice %arg4[%dma_wait3A_126, %dma_wait3A_127, %dma_wait3A_128] : memref<16384x50x64xf32, #tpu.memory_space<hbm>> -> memref<8x50x64xf32, #tpu.memory_space<hbm>>
        %dma_wait3A_130 = arith.constant 0 : i32
        %dma_wait3A_131 = arith.constant 0 : i32
        %dma_wait3A_132 = arith.constant 0 : i32
        %dma_wait3A_133 = tpu.memref_slice %arg4[%dma_wait3A_130, %dma_wait3A_131, %dma_wait3A_132] : memref<16384x50x64xf32, #tpu.memory_space<hbm>> -> memref<8x50x64xf32, #tpu.memory_space<hbm>>
        tpu.wait_dma2 semaphore(%arg12 : memref<!tpu.dma_semaphore, #tpu.memory_space<semaphore_mem>>) src(%arg8 : memref<400x64xf32, #tpu.memory_space<vmem>>) dst(%dma_wait3A_133 : memref<8x50x64xf32, #tpu.memory_space<hbm>>)
      } else {
      }
      %scan3A_89 = arith.constant 0 : i32
      %scan3A_90 = arith.constant 0 : i32
      %scan3A_91 = arith.constant 25 : i32
      %scan3A_92 = arith.addi %scan3A_90, %scan3A_91 : i32
      %scan3A_93 = arith.constant 1 : i32
      %scan3A_94 = scf.for %scan3A_126 = %scan3A_90 to %scan3A_92 step %scan3A_93 iter_args(%scan3A_127 = %scan3A_89) -> (i32)  : i32 {
        %mul3A_128 = arith.constant 16 : i32
        %mul3A_129 = arith.muli %scan3A_126, %mul3A_128 : i32
        %get3A = arith.index_cast %mul3A_129 : i32 to index
        %get3A_130 = tpu.vector_load %arg6[%get3A] {strides = array<i32>} : memref<400xi32, #tpu.memory_space<vmem>>, vector<16xi32>,
        %get3A_131 = vector.shape_cast %get3A_130 : vector<16xi32> to vector<16xi32>
        %slice3A = vector.extract_strided_slice %get3A_131 {offsets = [0], sizes = [1], strides = [1]} : vector<16xi32> to vector<1xi32>
        %squeeze3A = vector.extract %slice3A[0] : i32 from vector<1xi32>
        %mul3A_132 = arith.constant 16 : i32
        %mul3A_133 = arith.muli %scan3A_126, %mul3A_132 : i32
        %add3A_134 = arith.constant 0 : i32
        %add3A_135 = arith.addi %mul3A_133, %add3A_134 : i32
        %dma_start3A = arith.constant 0 : i32
        %dma_start3A_136 = tpu.memref_slice %arg8[%add3A_135, %dma_start3A] : memref<400x64xf32, #tpu.memory_space<vmem>> -> memref<1x64xf32, #tpu.memory_space<vmem>>
        %dma_start3A_137 = arith.constant 0 : i32
        %dma_start3A_138 = tpu.memref_slice %arg3[%squeeze3A, %dma_start3A_137] : memref<1000000x64xf32, #tpu.memory_space<hbm>> -> memref<1x64xf32, #tpu.memory_space<hbm>>
        %dma_start3A_139 = arith.constant 0 : i32
        %dma_start3A_140 = tpu.memref_slice %arg8[%add3A_135, %dma_start3A_139] : memref<400x64xf32, #tpu.memory_space<vmem>> -> memref<1x64xf32, #tpu.memory_space<vmem>>
        %dma_start3A_141 = arith.constant 0 : i32
        %dma_start3A_142 = tpu.memref_slice %arg3[%squeeze3A, %dma_start3A_141] : memref<1000000x64xf32, #tpu.memory_space<hbm>> -> memref<1x64xf32, #tpu.memory_space<hbm>>
        tpu.enqueue_dma source(%dma_start3A_142 : memref<1x64xf32, #tpu.memory_space<hbm>>) target(%dma_start3A_140 : memref<1x64xf32, #tpu.memory_space<vmem>>) target_semaphore(%arg10 : memref<!tpu.dma_semaphore, #tpu.memory_space<semaphore_mem>>)
        %slice3A_143 = vector.extract_strided_slice %get3A_131 {offsets = [1], sizes = [1], strides = [1]} : vector<16xi32> to vector<1xi32>
        %squeeze3A_144 = vector.extract %slice3A_143[0] : i32 from vector<1xi32>
        %mul3A_145 = arith.constant 16 : i32
        %mul3A_146 = arith.muli %scan3A_126, %mul3A_145 : i32
        %add3A_147 = arith.constant 1 : i32
        %add3A_148 = arith.addi %mul3A_146, %add3A_147 : i32
        %dma_start3A_149 = arith.constant 0 : i32
        %dma_start3A_150 = tpu.memref_slice %arg8[%add3A_148, %dma_start3A_149] : memref<400x64xf32, #tpu.memory_space<vmem>> -> memref<1x64xf32, #tpu.memory_space<vmem>>
        %dma_start3A_151 = arith.constant 0 : i32
        %dma_start3A_152 = tpu.memref_slice %arg3[%squeeze3A_144, %dma_start3A_151] : memref<1000000x64xf32, #tpu.memory_space<hbm>> -> memref<1x64xf32, #tpu.memory_space<hbm>>
        %dma_start3A_153 = arith.constant 0 : i32
        %dma_start3A_154 = tpu.memref_slice %arg8[%add3A_148, %dma_start3A_153] : memref<400x64xf32, #tpu.memory_space<vmem>> -> memref<1x64xf32, #tpu.memory_space<vmem>>
        %dma_start3A_155 = arith.constant 0 : i32
        %dma_start3A_156 = tpu.memref_slice %arg3[%squeeze3A_144, %dma_start3A_155] : memref<1000000x64xf32, #tpu.memory_space<hbm>> -> memref<1x64xf32, #tpu.memory_space<hbm>>
        tpu.enqueue_dma source(%dma_start3A_156 : memref<1x64xf32, #tpu.memory_space<hbm>>) target(%dma_start3A_154 : memref<1x64xf32, #tpu.memory_space<vmem>>) target_semaphore(%arg10 : memref<!tpu.dma_semaphore, #tpu.memory_space<semaphore_mem>>)
        %slice3A_157 = vector.extract_strided_slice %get3A_131 {offsets = [2], sizes = [1], strides = [1]} : vector<16xi32> to vector<1xi32>
        %squeeze3A_158 = vector.extract %slice3A_157[0] : i32 from vector<1xi32>
        %mul3A_159 = arith.constant 16 : i32
        %mul3A_160 = arith.muli %scan3A_126, %mul3A_159 : i32
        %add3A_161 = arith.constant 2 : i32
        %add3A_162 = arith.addi %mul3A_160, %add3A_161 : i32
        %dma_start3A_163 = arith.constant 0 : i32
        %dma_start3A_164 = tpu.memref_slice %arg8[%add3A_162, %dma_start3A_163] : memref<400x64xf32, #tpu.memory_space<vmem>> -> memref<1x64xf32, #tpu.memory_space<vmem>>
        %dma_start3A_165 = arith.constant 0 : i32
        %dma_start3A_166 = tpu.memref_slice %arg3[%squeeze3A_158, %dma_start3A_165] : memref<1000000x64xf32, #tpu.memory_space<hbm>> -> memref<1x64xf32, #tpu.memory_space<hbm>>
        %dma_start3A_167 = arith.constant 0 : i32
        %dma_start3A_168 = tpu.memref_slice %arg8[%add3A_162, %dma_start3A_167] : memref<400x64xf32, #tpu.memory_space<vmem>> -> memref<1x64xf32, #tpu.memory_space<vmem>>
        %dma_start3A_169 = arith.constant 0 : i32
        %dma_start3A_170 = tpu.memref_slice %arg3[%squeeze3A_158, %dma_start3A_169] : memref<1000000x64xf32, #tpu.memory_space<hbm>> -> memref<1x64xf32, #tpu.memory_space<hbm>>
        tpu.enqueue_dma source(%dma_start3A_170 : memref<1x64xf32, #tpu.memory_space<hbm>>) target(%dma_start3A_168 : memref<1x64xf32, #tpu.memory_space<vmem>>) target_semaphore(%arg10 : memref<!tpu.dma_semaphore, #tpu.memory_space<semaphore_mem>>)
        %slice3A_171 = vector.extract_strided_slice %get3A_131 {offsets = [3], sizes = [1], strides = [1]} : vector<16xi32> to vector<1xi32>
        %squeeze3A_172 = vector.extract %slice3A_171[0] : i32 from vector<1xi32>
        %mul3A_173 = arith.constant 16 : i32
        %mul3A_174 = arith.muli %scan3A_126, %mul3A_173 : i32
        %add3A_175 = arith.constant 3 : i32
        %add3A_176 = arith.addi %mul3A_174, %add3A_175 : i32
        %dma_start3A_177 = arith.constant 0 : i32
        %dma_start3A_178 = tpu.memref_slice %arg8[%add3A_176, %dma_start3A_177] : memref<400x64xf32, #tpu.memory_space<vmem>> -> memref<1x64xf32, #tpu.memory_space<vmem>>
        %dma_start3A_179 = arith.constant 0 : i32
        %dma_start3A_180 = tpu.memref_slice %arg3[%squeeze3A_172, %dma_start3A_179] : memref<1000000x64xf32, #tpu.memory_space<hbm>> -> memref<1x64xf32, #tpu.memory_space<hbm>>
        %dma_start3A_181 = arith.constant 0 : i32
        %dma_start3A_182 = tpu.memref_slice %arg8[%add3A_176, %dma_start3A_181] : memref<400x64xf32, #tpu.memory_space<vmem>> -> memref<1x64xf32, #tpu.memory_space<vmem>>
        %dma_start3A_183 = arith.constant 0 : i32
        %dma_start3A_184 = tpu.memref_slice %arg3[%squeeze3A_172, %dma_start3A_183] : memref<1000000x64xf32, #tpu.memory_space<hbm>> -> memref<1x64xf32, #tpu.memory_space<hbm>>
        tpu.enqueue_dma source(%dma_start3A_184 : memref<1x64xf32, #tpu.memory_space<hbm>>) target(%dma_start3A_182 : memref<1x64xf32, #tpu.memory_space<vmem>>) target_semaphore(%arg10 : memref<!tpu.dma_semaphore, #tpu.memory_space<semaphore_mem>>)
        %slice3A_185 = vector.extract_strided_slice %get3A_131 {offsets = [4], sizes = [1], strides = [1]} : vector<16xi32> to vector<1xi32>
        %squeeze3A_186 = vector.extract %slice3A_185[0] : i32 from vector<1xi32>
        %mul3A_187 = arith.constant 16 : i32
        %mul3A_188 = arith.muli %scan3A_126, %mul3A_187 : i32
        %add3A_189 = arith.constant 4 : i32
        %add3A_190 = arith.addi %mul3A_188, %add3A_189 : i32
        %dma_start3A_191 = arith.constant 0 : i32
        %dma_start3A_192 = tpu.memref_slice %arg8[%add3A_190, %dma_start3A_191] : memref<400x64xf32, #tpu.memory_space<vmem>> -> memref<1x64xf32, #tpu.memory_space<vmem>>
        %dma_start3A_193 = arith.constant 0 : i32
        %dma_start3A_194 = tpu.memref_slice %arg3[%squeeze3A_186, %dma_start3A_193] : memref<1000000x64xf32, #tpu.memory_space<hbm>> -> memref<1x64xf32, #tpu.memory_space<hbm>>
        %dma_start3A_195 = arith.constant 0 : i32
        %dma_start3A_196 = tpu.memref_slice %arg8[%add3A_190, %dma_start3A_195] : memref<400x64xf32, #tpu.memory_space<vmem>> -> memref<1x64xf32, #tpu.memory_space<vmem>>
        %dma_start3A_197 = arith.constant 0 : i32
        %dma_start3A_198 = tpu.memref_slice %arg3[%squeeze3A_186, %dma_start3A_197] : memref<1000000x64xf32, #tpu.memory_space<hbm>> -> memref<1x64xf32, #tpu.memory_space<hbm>>
        tpu.enqueue_dma source(%dma_start3A_198 : memref<1x64xf32, #tpu.memory_space<hbm>>) target(%dma_start3A_196 : memref<1x64xf32, #tpu.memory_space<vmem>>) target_semaphore(%arg10 : memref<!tpu.dma_semaphore, #tpu.memory_space<semaphore_mem>>)
        %slice3A_199 = vector.extract_strided_slice %get3A_131 {offsets = [5], sizes = [1], strides = [1]} : vector<16xi32> to vector<1xi32>
        %squeeze3A_200 = vector.extract %slice3A_199[0] : i32 from vector<1xi32>
        %mul3A_201 = arith.constant 16 : i32
        %mul3A_202 = arith.muli %scan3A_126, %mul3A_201 : i32
        %add3A_203 = arith.constant 5 : i32
        %add3A_204 = arith.addi %mul3A_202, %add3A_203 : i32
        %dma_start3A_205 = arith.constant 0 : i32
        %dma_start3A_206 = tpu.memref_slice %arg8[%add3A_204, %dma_start3A_205] : memref<400x64xf32, #tpu.memory_space<vmem>> -> memref<1x64xf32, #tpu.memory_space<vmem>>
        %dma_start3A_207 = arith.constant 0 : i32
        %dma_start3A_208 = tpu.memref_slice %arg3[%squeeze3A_200, %dma_start3A_207] : memref<1000000x64xf32, #tpu.memory_space<hbm>> -> memref<1x64xf32, #tpu.memory_space<hbm>>
        %dma_start3A_209 = arith.constant 0 : i32
        %dma_start3A_210 = tpu.memref_slice %arg8[%add3A_204, %dma_start3A_209] : memref<400x64xf32, #tpu.memory_space<vmem>> -> memref<1x64xf32, #tpu.memory_space<vmem>>
        %dma_start3A_211 = arith.constant 0 : i32
        %dma_start3A_212 = tpu.memref_slice %arg3[%squeeze3A_200, %dma_start3A_211] : memref<1000000x64xf32, #tpu.memory_space<hbm>> -> memref<1x64xf32, #tpu.memory_space<hbm>>
        tpu.enqueue_dma source(%dma_start3A_212 : memref<1x64xf32, #tpu.memory_space<hbm>>) target(%dma_start3A_210 : memref<1x64xf32, #tpu.memory_space<vmem>>) target_semaphore(%arg10 : memref<!tpu.dma_semaphore, #tpu.memory_space<semaphore_mem>>)
        %slice3A_213 = vector.extract_strided_slice %get3A_131 {offsets = [6], sizes = [1], strides = [1]} : vector<16xi32> to vector<1xi32>
        %squeeze3A_214 = vector.extract %slice3A_213[0] : i32 from vector<1xi32>
        %mul3A_215 = arith.constant 16 : i32
        %mul3A_216 = arith.muli %scan3A_126, %mul3A_215 : i32
        %add3A_217 = arith.constant 6 : i32
        %add3A_218 = arith.addi %mul3A_216, %add3A_217 : i32
        %dma_start3A_219 = arith.constant 0 : i32
        %dma_start3A_220 = tpu.memref_slice %arg8[%add3A_218, %dma_start3A_219] : memref<400x64xf32, #tpu.memory_space<vmem>> -> memref<1x64xf32, #tpu.memory_space<vmem>>
        %dma_start3A_221 = arith.constant 0 : i32
        %dma_start3A_222 = tpu.memref_slice %arg3[%squeeze3A_214, %dma_start3A_221] : memref<1000000x64xf32, #tpu.memory_space<hbm>> -> memref<1x64xf32, #tpu.memory_space<hbm>>
        %dma_start3A_223 = arith.constant 0 : i32
        %dma_start3A_224 = tpu.memref_slice %arg8[%add3A_218, %dma_start3A_223] : memref<400x64xf32, #tpu.memory_space<vmem>> -> memref<1x64xf32, #tpu.memory_space<vmem>>
        %dma_start3A_225 = arith.constant 0 : i32
        %dma_start3A_226 = tpu.memref_slice %arg3[%squeeze3A_214, %dma_start3A_225] : memref<1000000x64xf32, #tpu.memory_space<hbm>> -> memref<1x64xf32, #tpu.memory_space<hbm>>
        tpu.enqueue_dma source(%dma_start3A_226 : memref<1x64xf32, #tpu.memory_space<hbm>>) target(%dma_start3A_224 : memref<1x64xf32, #tpu.memory_space<vmem>>) target_semaphore(%arg10 : memref<!tpu.dma_semaphore, #tpu.memory_space<semaphore_mem>>)
        %slice3A_227 = vector.extract_strided_slice %get3A_131 {offsets = [7], sizes = [1], strides = [1]} : vector<16xi32> to vector<1xi32>
        %squeeze3A_228 = vector.extract %slice3A_227[0] : i32 from vector<1xi32>
        %mul3A_229 = arith.constant 16 : i32
        %mul3A_230 = arith.muli %scan3A_126, %mul3A_229 : i32
        %add3A_231 = arith.constant 7 : i32
        %add3A_232 = arith.addi %mul3A_230, %add3A_231 : i32
        %dma_start3A_233 = arith.constant 0 : i32
        %dma_start3A_234 = tpu.memref_slice %arg8[%add3A_232, %dma_start3A_233] : memref<400x64xf32, #tpu.memory_space<vmem>> -> memref<1x64xf32, #tpu.memory_space<vmem>>
        %dma_start3A_235 = arith.constant 0 : i32
        %dma_start3A_236 = tpu.memref_slice %arg3[%squeeze3A_228, %dma_start3A_235] : memref<1000000x64xf32, #tpu.memory_space<hbm>> -> memref<1x64xf32, #tpu.memory_space<hbm>>
        %dma_start3A_237 = arith.constant 0 : i32
        %dma_start3A_238 = tpu.memref_slice %arg8[%add3A_232, %dma_start3A_237] : memref<400x64xf32, #tpu.memory_space<vmem>> -> memref<1x64xf32, #tpu.memory_space<vmem>>
        %dma_start3A_239 = arith.constant 0 : i32
        %dma_start3A_240 = tpu.memref_slice %arg3[%squeeze3A_228, %dma_start3A_239] : memref<1000000x64xf32, #tpu.memory_space<hbm>> -> memref<1x64xf32, #tpu.memory_space<hbm>>
        tpu.enqueue_dma source(%dma_start3A_240 : memref<1x64xf32, #tpu.memory_space<hbm>>) target(%dma_start3A_238 : memref<1x64xf32, #tpu.memory_space<vmem>>) target_semaphore(%arg10 : memref<!tpu.dma_semaphore, #tpu.memory_space<semaphore_mem>>)
        %slice3A_241 = vector.extract_strided_slice %get3A_131 {offsets = [8], sizes = [1], strides = [1]} : vector<16xi32> to vector<1xi32>
        %squeeze3A_242 = vector.extract %slice3A_241[0] : i32 from vector<1xi32>
        %mul3A_243 = arith.constant 16 : i32
        %mul3A_244 = arith.muli %scan3A_126, %mul3A_243 : i32
        %add3A_245 = arith.constant 8 : i32
        %add3A_246 = arith.addi %mul3A_244, %add3A_245 : i32
        %dma_start3A_247 = arith.constant 0 : i32
        %dma_start3A_248 = tpu.memref_slice %arg8[%add3A_246, %dma_start3A_247] : memref<400x64xf32, #tpu.memory_space<vmem>> -> memref<1x64xf32, #tpu.memory_space<vmem>>
        %dma_start3A_249 = arith.constant 0 : i32
        %dma_start3A_250 = tpu.memref_slice %arg3[%squeeze3A_242, %dma_start3A_249] : memref<1000000x64xf32, #tpu.memory_space<hbm>> -> memref<1x64xf32, #tpu.memory_space<hbm>>
        %dma_start3A_251 = arith.constant 0 : i32
        %dma_start3A_252 = tpu.memref_slice %arg8[%add3A_246, %dma_start3A_251] : memref<400x64xf32, #tpu.memory_space<vmem>> -> memref<1x64xf32, #tpu.memory_space<vmem>>
        %dma_start3A_253 = arith.constant 0 : i32
        %dma_start3A_254 = tpu.memref_slice %arg3[%squeeze3A_242, %dma_start3A_253] : memref<1000000x64xf32, #tpu.memory_space<hbm>> -> memref<1x64xf32, #tpu.memory_space<hbm>>
        tpu.enqueue_dma source(%dma_start3A_254 : memref<1x64xf32, #tpu.memory_space<hbm>>) target(%dma_start3A_252 : memref<1x64xf32, #tpu.memory_space<vmem>>) target_semaphore(%arg10 : memref<!tpu.dma_semaphore, #tpu.memory_space<semaphore_mem>>)
        %slice3A_255 = vector.extract_strided_slice %get3A_131 {offsets = [9], sizes = [1], strides = [1]} : vector<16xi32> to vector<1xi32>
        %squeeze3A_256 = vector.extract %slice3A_255[0] : i32 from vector<1xi32>
        %mul3A_257 = arith.constant 16 : i32
        %mul3A_258 = arith.muli %scan3A_126, %mul3A_257 : i32
        %add3A_259 = arith.constant 9 : i32
        %add3A_260 = arith.addi %mul3A_258, %add3A_259 : i32
        %dma_start3A_261 = arith.constant 0 : i32
        %dma_start3A_262 = tpu.memref_slice %arg8[%add3A_260, %dma_start3A_261] : memref<400x64xf32, #tpu.memory_space<vmem>> -> memref<1x64xf32, #tpu.memory_space<vmem>>
        %dma_start3A_263 = arith.constant 0 : i32
        %dma_start3A_264 = tpu.memref_slice %arg3[%squeeze3A_256, %dma_start3A_263] : memref<1000000x64xf32, #tpu.memory_space<hbm>> -> memref<1x64xf32, #tpu.memory_space<hbm>>
        %dma_start3A_265 = arith.constant 0 : i32
        %dma_start3A_266 = tpu.memref_slice %arg8[%add3A_260, %dma_start3A_265] : memref<400x64xf32, #tpu.memory_space<vmem>> -> memref<1x64xf32, #tpu.memory_space<vmem>>
        %dma_start3A_267 = arith.constant 0 : i32
        %dma_start3A_268 = tpu.memref_slice %arg3[%squeeze3A_256, %dma_start3A_267] : memref<1000000x64xf32, #tpu.memory_space<hbm>> -> memref<1x64xf32, #tpu.memory_space<hbm>>
        tpu.enqueue_dma source(%dma_start3A_268 : memref<1x64xf32, #tpu.memory_space<hbm>>) target(%dma_start3A_266 : memref<1x64xf32, #tpu.memory_space<vmem>>) target_semaphore(%arg10 : memref<!tpu.dma_semaphore, #tpu.memory_space<semaphore_mem>>)
        %slice3A_269 = vector.extract_strided_slice %get3A_131 {offsets = [10], sizes = [1], strides = [1]} : vector<16xi32> to vector<1xi32>
        %squeeze3A_270 = vector.extract %slice3A_269[0] : i32 from vector<1xi32>
        %mul3A_271 = arith.constant 16 : i32
        %mul3A_272 = arith.muli %scan3A_126, %mul3A_271 : i32
        %add3A_273 = arith.constant 10 : i32
        %add3A_274 = arith.addi %mul3A_272, %add3A_273 : i32
        %dma_start3A_275 = arith.constant 0 : i32
        %dma_start3A_276 = tpu.memref_slice %arg8[%add3A_274, %dma_start3A_275] : memref<400x64xf32, #tpu.memory_space<vmem>> -> memref<1x64xf32, #tpu.memory_space<vmem>>
        %dma_start3A_277 = arith.constant 0 : i32
        %dma_start3A_278 = tpu.memref_slice %arg3[%squeeze3A_270, %dma_start3A_277] : memref<1000000x64xf32, #tpu.memory_space<hbm>> -> memref<1x64xf32, #tpu.memory_space<hbm>>
        %dma_start3A_279 = arith.constant 0 : i32
        %dma_start3A_280 = tpu.memref_slice %arg8[%add3A_274, %dma_start3A_279] : memref<400x64xf32, #tpu.memory_space<vmem>> -> memref<1x64xf32, #tpu.memory_space<vmem>>
        %dma_start3A_281 = arith.constant 0 : i32
        %dma_start3A_282 = tpu.memref_slice %arg3[%squeeze3A_270, %dma_start3A_281] : memref<1000000x64xf32, #tpu.memory_space<hbm>> -> memref<1x64xf32, #tpu.memory_space<hbm>>
        tpu.enqueue_dma source(%dma_start3A_282 : memref<1x64xf32, #tpu.memory_space<hbm>>) target(%dma_start3A_280 : memref<1x64xf32, #tpu.memory_space<vmem>>) target_semaphore(%arg10 : memref<!tpu.dma_semaphore, #tpu.memory_space<semaphore_mem>>)
        %slice3A_283 = vector.extract_strided_slice %get3A_131 {offsets = [11], sizes = [1], strides = [1]} : vector<16xi32> to vector<1xi32>
        %squeeze3A_284 = vector.extract %slice3A_283[0] : i32 from vector<1xi32>
        %mul3A_285 = arith.constant 16 : i32
        %mul3A_286 = arith.muli %scan3A_126, %mul3A_285 : i32
        %add3A_287 = arith.constant 11 : i32
        %add3A_288 = arith.addi %mul3A_286, %add3A_287 : i32
        %dma_start3A_289 = arith.constant 0 : i32
        %dma_start3A_290 = tpu.memref_slice %arg8[%add3A_288, %dma_start3A_289] : memref<400x64xf32, #tpu.memory_space<vmem>> -> memref<1x64xf32, #tpu.memory_space<vmem>>
        %dma_start3A_291 = arith.constant 0 : i32
        %dma_start3A_292 = tpu.memref_slice %arg3[%squeeze3A_284, %dma_start3A_291] : memref<1000000x64xf32, #tpu.memory_space<hbm>> -> memref<1x64xf32, #tpu.memory_space<hbm>>
        %dma_start3A_293 = arith.constant 0 : i32
        %dma_start3A_294 = tpu.memref_slice %arg8[%add3A_288, %dma_start3A_293] : memref<400x64xf32, #tpu.memory_space<vmem>> -> memref<1x64xf32, #tpu.memory_space<vmem>>
        %dma_start3A_295 = arith.constant 0 : i32
        %dma_start3A_296 = tpu.memref_slice %arg3[%squeeze3A_284, %dma_start3A_295] : memref<1000000x64xf32, #tpu.memory_space<hbm>> -> memref<1x64xf32, #tpu.memory_space<hbm>>
        tpu.enqueue_dma source(%dma_start3A_296 : memref<1x64xf32, #tpu.memory_space<hbm>>) target(%dma_start3A_294 : memref<1x64xf32, #tpu.memory_space<vmem>>) target_semaphore(%arg10 : memref<!tpu.dma_semaphore, #tpu.memory_space<semaphore_mem>>)
        %slice3A_297 = vector.extract_strided_slice %get3A_131 {offsets = [12], sizes = [1], strides = [1]} : vector<16xi32> to vector<1xi32>
        %squeeze3A_298 = vector.extract %slice3A_297[0] : i32 from vector<1xi32>
        %mul3A_299 = arith.constant 16 : i32
        %mul3A_300 = arith.muli %scan3A_126, %mul3A_299 : i32
        %add3A_301 = arith.constant 12 : i32
        %add3A_302 = arith.addi %mul3A_300, %add3A_301 : i32
        %dma_start3A_303 = arith.constant 0 : i32
        %dma_start3A_304 = tpu.memref_slice %arg8[%add3A_302, %dma_start3A_303] : memref<400x64xf32, #tpu.memory_space<vmem>> -> memref<1x64xf32, #tpu.memory_space<vmem>>
        %dma_start3A_305 = arith.constant 0 : i32
        %dma_start3A_306 = tpu.memref_slice %arg3[%squeeze3A_298, %dma_start3A_305] : memref<1000000x64xf32, #tpu.memory_space<hbm>> -> memref<1x64xf32, #tpu.memory_space<hbm>>
        %dma_start3A_307 = arith.constant 0 : i32
        %dma_start3A_308 = tpu.memref_slice %arg8[%add3A_302, %dma_start3A_307] : memref<400x64xf32, #tpu.memory_space<vmem>> -> memref<1x64xf32, #tpu.memory_space<vmem>>
        %dma_start3A_309 = arith.constant 0 : i32
        %dma_start3A_310 = tpu.memref_slice %arg3[%squeeze3A_298, %dma_start3A_309] : memref<1000000x64xf32, #tpu.memory_space<hbm>> -> memref<1x64xf32, #tpu.memory_space<hbm>>
        tpu.enqueue_dma source(%dma_start3A_310 : memref<1x64xf32, #tpu.memory_space<hbm>>) target(%dma_start3A_308 : memref<1x64xf32, #tpu.memory_space<vmem>>) target_semaphore(%arg10 : memref<!tpu.dma_semaphore, #tpu.memory_space<semaphore_mem>>)
        %slice3A_311 = vector.extract_strided_slice %get3A_131 {offsets = [13], sizes = [1], strides = [1]} : vector<16xi32> to vector<1xi32>
        %squeeze3A_312 = vector.extract %slice3A_311[0] : i32 from vector<1xi32>
        %mul3A_313 = arith.constant 16 : i32
        %mul3A_314 = arith.muli %scan3A_126, %mul3A_313 : i32
        %add3A_315 = arith.constant 13 : i32
        %add3A_316 = arith.addi %mul3A_314, %add3A_315 : i32
        %dma_start3A_317 = arith.constant 0 : i32
        %dma_start3A_318 = tpu.memref_slice %arg8[%add3A_316, %dma_start3A_317] : memref<400x64xf32, #tpu.memory_space<vmem>> -> memref<1x64xf32, #tpu.memory_space<vmem>>
        %dma_start3A_319 = arith.constant 0 : i32
        %dma_start3A_320 = tpu.memref_slice %arg3[%squeeze3A_312, %dma_start3A_319] : memref<1000000x64xf32, #tpu.memory_space<hbm>> -> memref<1x64xf32, #tpu.memory_space<hbm>>
        %dma_start3A_321 = arith.constant 0 : i32
        %dma_start3A_322 = tpu.memref_slice %arg8[%add3A_316, %dma_start3A_321] : memref<400x64xf32, #tpu.memory_space<vmem>> -> memref<1x64xf32, #tpu.memory_space<vmem>>
        %dma_start3A_323 = arith.constant 0 : i32
        %dma_start3A_324 = tpu.memref_slice %arg3[%squeeze3A_312, %dma_start3A_323] : memref<1000000x64xf32, #tpu.memory_space<hbm>> -> memref<1x64xf32, #tpu.memory_space<hbm>>
        tpu.enqueue_dma source(%dma_start3A_324 : memref<1x64xf32, #tpu.memory_space<hbm>>) target(%dma_start3A_322 : memref<1x64xf32, #tpu.memory_space<vmem>>) target_semaphore(%arg10 : memref<!tpu.dma_semaphore, #tpu.memory_space<semaphore_mem>>)
        %slice3A_325 = vector.extract_strided_slice %get3A_131 {offsets = [14], sizes = [1], strides = [1]} : vector<16xi32> to vector<1xi32>
        %squeeze3A_326 = vector.extract %slice3A_325[0] : i32 from vector<1xi32>
        %mul3A_327 = arith.constant 16 : i32
        %mul3A_328 = arith.muli %scan3A_126, %mul3A_327 : i32
        %add3A_329 = arith.constant 14 : i32
        %add3A_330 = arith.addi %mul3A_328, %add3A_329 : i32
        %dma_start3A_331 = arith.constant 0 : i32
        %dma_start3A_332 = tpu.memref_slice %arg8[%add3A_330, %dma_start3A_331] : memref<400x64xf32, #tpu.memory_space<vmem>> -> memref<1x64xf32, #tpu.memory_space<vmem>>
        %dma_start3A_333 = arith.constant 0 : i32
        %dma_start3A_334 = tpu.memref_slice %arg3[%squeeze3A_326, %dma_start3A_333] : memref<1000000x64xf32, #tpu.memory_space<hbm>> -> memref<1x64xf32, #tpu.memory_space<hbm>>
        %dma_start3A_335 = arith.constant 0 : i32
        %dma_start3A_336 = tpu.memref_slice %arg8[%add3A_330, %dma_start3A_335] : memref<400x64xf32, #tpu.memory_space<vmem>> -> memref<1x64xf32, #tpu.memory_space<vmem>>
        %dma_start3A_337 = arith.constant 0 : i32
        %dma_start3A_338 = tpu.memref_slice %arg3[%squeeze3A_326, %dma_start3A_337] : memref<1000000x64xf32, #tpu.memory_space<hbm>> -> memref<1x64xf32, #tpu.memory_space<hbm>>
        tpu.enqueue_dma source(%dma_start3A_338 : memref<1x64xf32, #tpu.memory_space<hbm>>) target(%dma_start3A_336 : memref<1x64xf32, #tpu.memory_space<vmem>>) target_semaphore(%arg10 : memref<!tpu.dma_semaphore, #tpu.memory_space<semaphore_mem>>)
        %slice3A_339 = vector.extract_strided_slice %get3A_131 {offsets = [15], sizes = [1], strides = [1]} : vector<16xi32> to vector<1xi32>
        %squeeze3A_340 = vector.extract %slice3A_339[0] : i32 from vector<1xi32>
        %mul3A_341 = arith.constant 16 : i32
        %mul3A_342 = arith.muli %scan3A_126, %mul3A_341 : i32
        %add3A_343 = arith.constant 15 : i32
        %add3A_344 = arith.addi %mul3A_342, %add3A_343 : i32
        %dma_start3A_345 = arith.constant 0 : i32
        %dma_start3A_346 = tpu.memref_slice %arg8[%add3A_344, %dma_start3A_345] : memref<400x64xf32, #tpu.memory_space<vmem>> -> memref<1x64xf32, #tpu.memory_space<vmem>>
        %dma_start3A_347 = arith.constant 0 : i32
        %dma_start3A_348 = tpu.memref_slice %arg3[%squeeze3A_340, %dma_start3A_347] : memref<1000000x64xf32, #tpu.memory_space<hbm>> -> memref<1x64xf32, #tpu.memory_space<hbm>>
        %dma_start3A_349 = arith.constant 0 : i32
        %dma_start3A_350 = tpu.memref_slice %arg8[%add3A_344, %dma_start3A_349] : memref<400x64xf32, #tpu.memory_space<vmem>> -> memref<1x64xf32, #tpu.memory_space<vmem>>
        %dma_start3A_351 = arith.constant 0 : i32
        %dma_start3A_352 = tpu.memref_slice %arg3[%squeeze3A_340, %dma_start3A_351] : memref<1000000x64xf32, #tpu.memory_space<hbm>> -> memref<1x64xf32, #tpu.memory_space<hbm>>
        tpu.enqueue_dma source(%dma_start3A_352 : memref<1x64xf32, #tpu.memory_space<hbm>>) target(%dma_start3A_350 : memref<1x64xf32, #tpu.memory_space<vmem>>) target_semaphore(%arg10 : memref<!tpu.dma_semaphore, #tpu.memory_space<semaphore_mem>>)
        %ge3A = arith.constant 16 : i32
        %ge3A_353 = arith.cmpi sge, %scan3A_126, %ge3A : i32
        %convert_element_type3A_354 = arith.extui %ge3A_353 : i1 to i32
        %cond3A_355 = arith.constant 0 : i32
        %cond3A_356 = arith.cmpi ne, %convert_element_type3A_354, %cond3A_355 : i32
        scf.if %cond3A_356 {
          %dma_wait3A_358 = arith.constant 0 : i32
          %dma_wait3A_359 = arith.constant 0 : i32
          %dma_wait3A_360 = tpu.memref_slice %arg8[%dma_wait3A_358, %dma_wait3A_359] : memref<400x64xf32, #tpu.memory_space<vmem>> -> memref<16x64xf32, #tpu.memory_space<vmem>>
          %dma_wait3A_361 = arith.constant 0 : i32
          %dma_wait3A_362 = arith.constant 0 : i32
          %dma_wait3A_363 = tpu.memref_slice %arg3[%dma_wait3A_361, %dma_wait3A_362] : memref<1000000x64xf32, #tpu.memory_space<hbm>> -> memref<16x64xf32, #tpu.memory_space<hbm>>
          %dma_wait3A_364 = arith.constant 0 : i32
          %dma_wait3A_365 = arith.constant 0 : i32
          %dma_wait3A_366 = tpu.memref_slice %arg8[%dma_wait3A_364, %dma_wait3A_365] : memref<400x64xf32, #tpu.memory_space<vmem>> -> memref<16x64xf32, #tpu.memory_space<vmem>>
          %dma_wait3A_367 = arith.constant 0 : i32
          %dma_wait3A_368 = arith.constant 0 : i32
          %dma_wait3A_369 = tpu.memref_slice %arg3[%dma_wait3A_367, %dma_wait3A_368] : memref<1000000x64xf32, #tpu.memory_space<hbm>> -> memref<16x64xf32, #tpu.memory_space<hbm>>
          tpu.wait_dma2 semaphore(%arg10 : memref<!tpu.dma_semaphore, #tpu.memory_space<semaphore_mem>>) src(%dma_wait3A_369 : memref<16x64xf32, #tpu.memory_space<hbm>>) dst(%dma_wait3A_366 : memref<16x64xf32, #tpu.memory_space<vmem>>)
        } else {
        }
        %scan3A_357 = arith.constant 0 : i32
        scf.yield %scan3A_357 : i32
      }
      %scan3A_95 = arith.constant 25 : i32
      %dma_wait3A_96 = arith.constant 0 : i32
      %dma_wait3A_97 = arith.constant 0 : i32
      %dma_wait3A_98 = tpu.memref_slice %arg8[%dma_wait3A_96, %dma_wait3A_97] : memref<400x64xf32, #tpu.memory_space<vmem>> -> memref<256x64xf32, #tpu.memory_space<vmem>>
      %dma_wait3A_99 = arith.constant 0 : i32
      %dma_wait3A_100 = arith.constant 0 : i32
      %dma_wait3A_101 = tpu.memref_slice %arg3[%dma_wait3A_99, %dma_wait3A_100] : memref<1000000x64xf32, #tpu.memory_space<hbm>> -> memref<256x64xf32, #tpu.memory_space<hbm>>
      %dma_wait3A_102 = arith.constant 0 : i32
      %dma_wait3A_103 = arith.constant 0 : i32
      %dma_wait3A_104 = tpu.memref_slice %arg8[%dma_wait3A_102, %dma_wait3A_103] : memref<400x64xf32, #tpu.memory_space<vmem>> -> memref<256x64xf32, #tpu.memory_space<vmem>>
      %dma_wait3A_105 = arith.constant 0 : i32
      %dma_wait3A_106 = arith.constant 0 : i32
      %dma_wait3A_107 = tpu.memref_slice %arg3[%dma_wait3A_105, %dma_wait3A_106] : memref<1000000x64xf32, #tpu.memory_space<hbm>> -> memref<256x64xf32, #tpu.memory_space<hbm>>
      tpu.wait_dma2 semaphore(%arg10 : memref<!tpu.dma_semaphore, #tpu.memory_space<semaphore_mem>>) src(%dma_wait3A_107 : memref<256x64xf32, #tpu.memory_space<hbm>>) dst(%dma_wait3A_104 : memref<256x64xf32, #tpu.memory_space<vmem>>)
      %scan3A_108 = arith.constant 0 : i32
      %scan3A_109 = arith.constant 0 : i32
      %scan3A_110 = arith.constant 400 : i32
      %scan3A_111 = arith.addi %scan3A_109, %scan3A_110 : i32
      %scan3A_112 = arith.constant 1 : i32
      %scan3A_113 = scf.for %scan3A_126 = %scan3A_109 to %scan3A_111 step %scan3A_112 iter_args(%scan3A_127 = %scan3A_108) -> (i32)  : i32 {
        %get3A = arith.index_cast %scan3A_126 : i32 to index
        %get3A_128 = arith.constant 0 : index
        %get3A_129 = tpu.vector_load %arg8[%get3A, %get3A_128] {strides = array<i32>} : memref<400x64xf32, #tpu.memory_space<vmem>>, vector<1x16xf32>,
        %get3A_130 = vector.shape_cast %get3A_129 : vector<1x16xf32> to vector<16xf32>
        %mul3A_131 = arith.constant 8.000000e+00 : f32
        %mul3A_132 = vector.broadcast %mul3A_131 : f32 to vector<16xf32>
        %mul3A_133 = arith.mulf %get3A_130, %mul3A_132 : vector<16xf32>
        %swap3A = arith.index_cast %scan3A_126 : i32 to index
        %swap3A_134 = arith.constant 0 : index
        %swap3A_135 = tpu.vector_load %arg8[%swap3A, %swap3A_134] {strides = array<i32>} : memref<400x64xf32, #tpu.memory_space<vmem>>, vector<1x16xf32>,
        %swap3A_136 = vector.shape_cast %swap3A_135 : vector<1x16xf32> to vector<16xf32>
        %swap3A_137 = vector.shape_cast %mul3A_133 : vector<16xf32> to vector<1x16xf32>
        tpu.vector_store %arg8[%swap3A, %swap3A_134], %swap3A_137 {strides = array<i32>} : memref<400x64xf32, #tpu.memory_space<vmem>>, vector<1x16xf32>,
        %get3A_138 = arith.index_cast %scan3A_126 : i32 to index
        %get3A_139 = arith.constant 16 : index
        %get3A_140 = tpu.vector_load %arg8[%get3A_138, %get3A_139] {strides = array<i32>} : memref<400x64xf32, #tpu.memory_space<vmem>>, vector<1x16xf32>,
        %get3A_141 = vector.shape_cast %get3A_140 : vector<1x16xf32> to vector<16xf32>
        %mul3A_142 = arith.constant 8.000000e+00 : f32
        %mul3A_143 = vector.broadcast %mul3A_142 : f32 to vector<16xf32>
        %mul3A_144 = arith.mulf %get3A_141, %mul3A_143 : vector<16xf32>
        %swap3A_145 = arith.index_cast %scan3A_126 : i32 to index
        %swap3A_146 = arith.constant 16 : index
        %swap3A_147 = tpu.vector_load %arg8[%swap3A_145, %swap3A_146] {strides = array<i32>} : memref<400x64xf32, #tpu.memory_space<vmem>>, vector<1x16xf32>,
        %swap3A_148 = vector.shape_cast %swap3A_147 : vector<1x16xf32> to vector<16xf32>
        %swap3A_149 = vector.shape_cast %mul3A_144 : vector<16xf32> to vector<1x16xf32>
        tpu.vector_store %arg8[%swap3A_145, %swap3A_146], %swap3A_149 {strides = array<i32>} : memref<400x64xf32, #tpu.memory_space<vmem>>, vector<1x16xf32>,
        %get3A_150 = arith.index_cast %scan3A_126 : i32 to index
        %get3A_151 = arith.constant 32 : index
        %get3A_152 = tpu.vector_load %arg8[%get3A_150, %get3A_151] {strides = array<i32>} : memref<400x64xf32, #tpu.memory_space<vmem>>, vector<1x16xf32>,
        %get3A_153 = vector.shape_cast %get3A_152 : vector<1x16xf32> to vector<16xf32>
        %mul3A_154 = arith.constant 8.000000e+00 : f32
        %mul3A_155 = vector.broadcast %mul3A_154 : f32 to vector<16xf32>
        %mul3A_156 = arith.mulf %get3A_153, %mul3A_155 : vector<16xf32>
        %swap3A_157 = arith.index_cast %scan3A_126 : i32 to index
        %swap3A_158 = arith.constant 32 : index
        %swap3A_159 = tpu.vector_load %arg8[%swap3A_157, %swap3A_158] {strides = array<i32>} : memref<400x64xf32, #tpu.memory_space<vmem>>, vector<1x16xf32>,
        %swap3A_160 = vector.shape_cast %swap3A_159 : vector<1x16xf32> to vector<16xf32>
        %swap3A_161 = vector.shape_cast %mul3A_156 : vector<16xf32> to vector<1x16xf32>
        tpu.vector_store %arg8[%swap3A_157, %swap3A_158], %swap3A_161 {strides = array<i32>} : memref<400x64xf32, #tpu.memory_space<vmem>>, vector<1x16xf32>,
        %get3A_162 = arith.index_cast %scan3A_126 : i32 to index
        %get3A_163 = arith.constant 48 : index
        %get3A_164 = tpu.vector_load %arg8[%get3A_162, %get3A_163] {strides = array<i32>} : memref<400x64xf32, #tpu.memory_space<vmem>>, vector<1x16xf32>,
        %get3A_165 = vector.shape_cast %get3A_164 : vector<1x16xf32> to vector<16xf32>
        %mul3A_166 = arith.constant 8.000000e+00 : f32
        %mul3A_167 = vector.broadcast %mul3A_166 : f32 to vector<16xf32>
        %mul3A_168 = arith.mulf %get3A_165, %mul3A_167 : vector<16xf32>
        %swap3A_169 = arith.index_cast %scan3A_126 : i32 to index
        %swap3A_170 = arith.constant 48 : index
        %swap3A_171 = tpu.vector_load %arg8[%swap3A_169, %swap3A_170] {strides = array<i32>} : memref<400x64xf32, #tpu.memory_space<vmem>>, vector<1x16xf32>,
        %swap3A_172 = vector.shape_cast %swap3A_171 : vector<1x16xf32> to vector<16xf32>
        %swap3A_173 = vector.shape_cast %mul3A_168 : vector<16xf32> to vector<1x16xf32>
        tpu.vector_store %arg8[%swap3A_169, %swap3A_170], %swap3A_173 {strides = array<i32>} : memref<400x64xf32, #tpu.memory_space<vmem>>, vector<1x16xf32>,
        %scan3A_174 = arith.constant 0 : i32
        scf.yield %scan3A_174 : i32
      }
      %scan3A_114 = arith.constant 400 : i32
      %mul3A_115 = arith.constant 8 : i32
      %mul3A_116 = arith.muli %add3A_75, %mul3A_115 : i32
      %add3A_117 = arith.addi %mul3A_2, %mul3A_116 : i32
      %scan3A_118 = arith.constant 0 : i32
      %scan3A_119 = arith.constant 0 : i32
      %scan3A_120 = arith.constant 8 : i32
      %scan3A_121 = arith.addi %scan3A_119, %scan3A_120 : i32
      %scan3A_122 = arith.constant 1 : i32
      %scan3A_123 = scf.for %scan3A_126 = %scan3A_119 to %scan3A_121 step %scan3A_122 iter_args(%scan3A_127 = %scan3A_118) -> (i32)  : i32 {
        %mul3A_128 = arith.constant 50 : i32
        %mul3A_129 = arith.muli %scan3A_126, %mul3A_128 : i32
        %add3A_130 = arith.addi %add3A_117, %scan3A_126 : i32
        %dma_start3A = arith.constant 0 : i32
        %dma_start3A_131 = tpu.memref_slice %arg8[%mul3A_129, %dma_start3A] : memref<400x64xf32, #tpu.memory_space<vmem>> -> memref<50x64xf32, #tpu.memory_space<vmem>>
        %dma_start3A_132 = arith.constant 0 : i32
        %dma_start3A_133 = arith.constant 0 : i32
        %dma_start3A_134 = tpu.memref_slice %arg4[%add3A_130, %dma_start3A_132, %dma_start3A_133] : memref<16384x50x64xf32, #tpu.memory_space<hbm>> -> memref<1x50x64xf32, #tpu.memory_space<hbm>>
        %dma_start3A_135 = tpu.memref_squeeze %dma_start3A_134 : memref<1x50x64xf32, #tpu.memory_space<hbm>> -> memref<50x64xf32, #tpu.memory_space<hbm>>
        %dma_start3A_136 = arith.constant 0 : i32
        %dma_start3A_137 = arith.constant 0 : i32
        %dma_start3A_138 = tpu.memref_slice %arg4[%add3A_130, %dma_start3A_136, %dma_start3A_137] : memref<16384x50x64xf32, #tpu.memory_space<hbm>> -> memref<1x50x64xf32, #tpu.memory_space<hbm>>
        %dma_start3A_139 = tpu.memref_squeeze %dma_start3A_138 : memref<1x50x64xf32, #tpu.memory_space<hbm>> -> memref<50x64xf32, #tpu.memory_space<hbm>>
        %dma_start3A_140 = arith.constant 0 : i32
        %dma_start3A_141 = tpu.memref_slice %arg8[%mul3A_129, %dma_start3A_140] : memref<400x64xf32, #tpu.memory_space<vmem>> -> memref<50x64xf32, #tpu.memory_space<vmem>>
        tpu.enqueue_dma source(%dma_start3A_141 : memref<50x64xf32, #tpu.memory_space<vmem>>) target(%dma_start3A_139 : memref<50x64xf32, #tpu.memory_space<hbm>>) target_semaphore(%arg12 : memref<!tpu.dma_semaphore, #tpu.memory_space<semaphore_mem>>)
        %scan3A_142 = arith.constant 0 : i32
        scf.yield %scan3A_142 : i32
      }
      %scan3A_124 = arith.constant 8 : i32
      %scan3A_125 = arith.constant 0 : i32
      scf.yield %scan3A_125 : i32
    }
    %scan3A_8 = arith.constant 32 : i32
    %dma_wait3A = arith.constant 0 : i32
    %dma_wait3A_9 = arith.constant 0 : i32
    %dma_wait3A_10 = arith.constant 0 : i32
    %dma_wait3A_11 = tpu.memref_slice %arg4[%dma_wait3A, %dma_wait3A_9, %dma_wait3A_10] : memref<16384x50x64xf32, #tpu.memory_space<hbm>> -> memref<8x50x64xf32, #tpu.memory_space<hbm>>
    %dma_wait3A_12 = arith.constant 0 : i32
    %dma_wait3A_13 = arith.constant 0 : i32
    %dma_wait3A_14 = arith.constant 0 : i32
    %dma_wait3A_15 = tpu.memref_slice %arg4[%dma_wait3A_12, %dma_wait3A_13, %dma_wait3A_14] : memref<16384x50x64xf32, #tpu.memory_space<hbm>> -> memref<8x50x64xf32, #tpu.memory_space<hbm>>
    tpu.wait_dma2 semaphore(%arg11 : memref<!tpu.dma_semaphore, #tpu.memory_space<semaphore_mem>>) src(%arg7 : memref<400x64xf32, #tpu.memory_space<vmem>>) dst(%dma_wait3A_15 : memref<8x50x64xf32, #tpu.memory_space<hbm>>)
    %dma_wait3A_16 = arith.constant 0 : i32
    %dma_wait3A_17 = arith.constant 0 : i32
    %dma_wait3A_18 = arith.constant 0 : i32
    %dma_wait3A_19 = tpu.memref_slice %arg4[%dma_wait3A_16, %dma_wait3A_17, %dma_wait3A_18] : memref<16384x50x64xf32, #tpu.memory_space<hbm>> -> memref<8x50x64xf32, #tpu.memory_space<hbm>>
    %dma_wait3A_20 = arith.constant 0 : i32
    %dma_wait3A_21 = arith.constant 0 : i32
    %dma_wait3A_22 = arith.constant 0 : i32
    %dma_wait3A_23 = tpu.memref_slice %arg4[%dma_wait3A_20, %dma_wait3A_21, %dma_wait3A_22] : memref<16384x50x64xf32, #tpu.memory_space<hbm>> -> memref<8x50x64xf32, #tpu.memory_space<hbm>>
    tpu.wait_dma2 semaphore(%arg12 : memref<!tpu.dma_semaphore, #tpu.memory_space<semaphore_mem>>) src(%arg8 : memref<400x64xf32, #tpu.memory_space<vmem>>) dst(%dma_wait3A_23 : memref<8x50x64xf32, #tpu.memory_space<hbm>>)
    return
  }
}

</mosaic_0001>

<sc_bundles>
// kernel: kernel.3.cloned.1.call-start
scs
__scs_entry_jumppad:
0x0: {  	(pc) =	sbr.rel $0x88, $3  }
0x1: {  	(tag) =	ssettag $0x0;
	lr =	simm.s32 $0x1  }
0x2: {  	[smem:$0x3F9F] =	sst lr;
	_ =	strace $0xD0000000  }
0x3: {  	_ = 	snop  }
0x4: {  	_ = 	snop  }
0x5: {  	_ = 	snop  }
0x6: {  	_ = 	snop  }
0x7: {  	_ = 	snop  }
__scs_overlays_trampoline_lowered:
0x8: {  	[smem:$0x3FAE] =	sst s0  }
0x9: {  	[smem:$0x3FAF] =	sst s1  }
0xa: {  	[smem:$0x3FB0] =	sst s2  }
0xb: {  	[smem:$0x3FB1] =	sst s3  }
0xc: {  	[smem:$0x3FB2] =	sst s4  }
0xd: {  	[smem:$0x3FB3] =	sst s5  }
0xe: {  	[smem:$0x3FB4] =	sst s6  }
0xf: {  	[smem:$0x3FB5] =	sst s7  }
0x10: {  	[smem:$0x3FB6] =	sst s8  }
0x11: {  	[smem:$0x3FB7] =	sst s9;
	s0 =	simm.s32 @!p0 $0x0  }
0x12: {  	s1 =	sld [smem:$0x3F9D];
	s0 =	simm.s32 @p0 $0x1  }
0x13: {  	[smem:$0x3FB8] =	sst s0;
	s0 =	simm.s32 @!p1 $0x0  }
0x14: {  	s2 =	sld [smem:$0x3F9C];
	s0 =	simm.s32 @p1 $0x1  }
0x15: {  	[smem:$0x3FB9] =	sst s0;
	s0 =	simm.s32 @!p2 $0x0  }
0x16: {  	s3 =	sld [smem:$0x3FDB];
	s0 =	simm.s32 @p2 $0x1  }
0x17: {  	s4 =	simm.s32 $0x1BF5;
	[smem:$0x3FBB] =	sst s0  }
0x18: {  	s0 =	sld [smem:$0x3F9E];
	_ =	swait.ge [sflag:s4], $0x0  }
0x19: {  	s7 =	sld [smem:$0x3F9F]  }
0x1a: {  	s8 =	sadd.s32 $0xFFFFE003, lr  }
0x1b: {  	s9 =	sadd.s32 $0xFFFFFEF7, lr;
	s5 =	simm.s32 $0xFFFFFFFF;
	p2 =	slt.u32 s8, $0xFFFFF086  }
0x1c: {  	p1 =	slt.u32 s9, $0xF7A;
	s5 =	simm.s32 @!p2 $0x0  }
0x1d: {  	s5 =	simm.s32 @p1 $0x1;
	p0 =	seq.s32 s7, s2  }
0x1e: {  	s7 =	smul.u32 @!p0 $0xF7A, s2;
	p2 =	seq.s32 @!p0 s5, $0x0  }
0x1f: {  	s9 =	smul.u32 $0xF7A, s1;
	s8 =	simm.s32 @!p0 $0x1BF5;
	p2 =	por !p2, p0  }
0x20: {  	[sflag:s8] =	ssyncset.s32 @!p0 $0xFFFFF086;
	s6 =	sadd.s32 @!p0 s3, s7;
	s7 =	simm.s32 @!p0 $0x108  }
0x21: {  	s3 =	sadd.s32 s3, s9;
	s6 =	sadd.s32 @!p0 $0x88, s6;
	s7 =	simm.s32 @p2 $0x1082  }
0x22: {  	[simem:s7], [sflag:s8] =	dma.local @!p0 [hbm:s6], $0xF7A  }
0x23: {  	s9 =	sor.u32 $0xD0000000, s2;
	s6 =	simm.s32 $0x108;
	_ =	swait.ge @!p0 [sflag:s8], $0x0  }
0x24: {  	s3 =	sadd.s32 $0x88, s3;
	s6 =	simm.s32 @!p1 $0x1082;
	[sflag:s4] =	ssyncset.s32 $0xFFFFF086  }
0x25: {  	[simem:s6], [sflag:s4] =	dma.local [hbm:s3], $0xF7A  }
0x26: {  	[smem:$0x3F9F] =	sst s1;
	(tag) =	ssettag s2;
	_ =	strace s9  }
0x27: {  	s1 =	sld [smem:$0x3FAF]  }
0x28: {  	s2 =	sld [smem:$0x3FB0]  }
0x29: {  	s4 =	sld [smem:$0x3FB2]  }
0x2a: {  	p0 =	seq.s32 s5, $0x0;
	s5 =	sld [smem:$0x3FB3]  }
0x2b: {  	s6 =	sld [smem:$0x3FB4]  }
0x2c: {  	s7 =	sld [smem:$0x3FB5]  }
0x2d: {  	s3 =	simm.s32 $0x108;
	s8 =	sld [smem:$0x3FB6]  }
0x2e: {  	s3 =	simm.s32 @!p0 $0x1082;
	s9 =	sld [smem:$0x3FB7]  }
0x2f: {  	lr =	sadd.s32 s0, s3;
	s0 =	sld [smem:$0x3FAE]  }
0x30: {  	s3 =	sld [smem:$0x3FB1]  }
0x31: {  	[smem:$0x3FBA] =	sst s10  }
0x32: {  	s10 =	sld [smem:$0x3FB8];
	_ =	sdelay $0x3  }
0x33: {  	p0 =	seq.s32 s10, $0x1;
	s10 =	sld [smem:$0x3FBA];
	_ =	sdelay $0x3  }
0x34: {  	[smem:$0x3FBA] =	sst s10  }
0x35: {  	s10 =	sld [smem:$0x3FB9];
	_ =	sdelay $0x3  }
0x36: {  	p1 =	seq.s32 s10, $0x1;
	s10 =	sld [smem:$0x3FBA];
	_ =	sdelay $0x3  }
0x37: {  	[smem:$0x3FBA] =	sst s10  }
0x38: {  	s10 =	sld [smem:$0x3FBB]  }
0x39: {  	_ = 	snop;
	(pc) =	sbr.ind lr, $3  }
0x3a: {  	_ = 	snop  }
0x3b: {  	_ = 	snop  }
0x3c: {  	p2 =	seq.s32 s10, $0x1;
	s10 =	sld [smem:$0x3FBA]  }
0x3d: {  	_ =	shalt  }
0x3e: {  	_ =	shalt  }
0x3f: {  	_ =	shalt  }
0x40: {  	_ =	shalt  }
0x41: {  	_ =	shalt  }
0x42: {  	_ =	shalt  }
0x43: {  	_ =	shalt  }
0x44: {  	_ =	shalt  }
0x45: {  	_ =	shalt  }
0x46: {  	_ =	shalt  }
0x47: {  	_ =	shalt  }
0x48: {  	_ =	shalt  }
0x49: {  	_ =	shalt  }
0x4a: {  	_ =	shalt  }
0x4b: {  	_ =	shalt  }
0x4c: {  	_ =	shalt  }
0x4d: {  	_ =	shalt  }
0x4e: {  	_ =	shalt  }
0x4f: {  	_ =	shalt  }
0x50: {  	_ =	shalt  }
0x51: {  	_ =	shalt  }
0x52: {  	_ =	shalt  }
0x53: {  	_ =	shalt  }
0x54: {  	_ =	shalt  }
0x55: {  	_ =	shalt  }
0x56: {  	_ =	shalt  }
0x57: {  	_ =	shalt  }
0x58: {  	_ =	shalt  }
0x59: {  	_ =	shalt  }
0x5a: {  	_ =	shalt  }
0x5b: {  	_ =	shalt  }
0x5c: {  	_ =	shalt  }
0x5d: {  	_ =	shalt  }
0x5e: {  	_ =	shalt  }
0x5f: {  	_ =	shalt  }
0x60: {  	_ =	shalt  }
0x61: {  	_ =	shalt  }
0x62: {  	_ =	shalt  }
0x63: {  	_ =	shalt  }
0x64: {  	_ =	shalt  }
0x65: {  	_ =	shalt  }
0x66: {  	_ =	shalt  }
0x67: {  	_ =	shalt  }
0x68: {  	_ =	shalt  }
0x69: {  	_ =	shalt  }
0x6a: {  	_ =	shalt  }
0x6b: {  	_ =	shalt  }
0x6c: {  	_ =	shalt  }
0x6d: {  	_ =	shalt  }
0x6e: {  	_ =	shalt  }
0x6f: {  	_ =	shalt  }
0x70: {  	_ =	shalt  }
0x71: {  	_ =	shalt  }
0x72: {  	_ =	shalt  }
0x73: {  	_ =	shalt  }
0x74: {  	_ =	shalt  }
0x75: {  	_ =	shalt  }
0x76: {  	_ =	shalt  }
0x77: {  	_ =	shalt  }
0x78: {  	_ =	shalt  }
0x79: {  	_ =	shalt  }
0x7a: {  	_ =	shalt  }
0x7b: {  	_ =	shalt  }
0x7c: {  	_ =	shalt  }
0x7d: {  	_ =	shalt  }
0x7e: {  	_ =	shalt  }
0x7f: {  	_ =	shalt  }
0x80: {  	_ =	shalt  }
0x81: {  	_ =	shalt  }
0x82: {  	_ =	shalt  }
0x83: {  	_ =	shalt  }
0x84: {  	_ =	shalt  }
0x85: {  	_ =	shalt  }
0x86: {  	_ =	shalt  }
0x87: {  	_ =	shalt  }
.Lfunc_end0:
.L_simem_size_0:
called_computation_lowered:
.L_overlay_start_0:
0x88: {  	s2 =	sld [smem:$0x3FD9]  }
0x89: {  	s3 =	sld [smem:$0x3FFE];
	_ =	sdelay $0x1  }
0x8a: {  	s1 =	srdreg.scid  }
0x8b: {  	s0 =	sand.u32 $0x1, s1  }
0x8c: {  	s17 =	sshll.u32 s0, $0xA;
	s2 =	sadd.s32 s3, s2  }
0x8d: {  	s2 =	sadd.s32 s2, s17  }
0x8e: {  	[smem:$0x3FC6] =	sst s2  }
0x8f: {  	_ = 	snop  }
0x90: {  	s2 =	sld [smem:$0x3FD0];
	(tm) =	ssettm $0x1  }
0x91: {  	s18 =	sld [smem:$0x3FFB];
	_ =	sdelay $0x3  }
0x92: {  	_ =	strace s18  }
0x93: {  	s3 =	sld [smem:$0x3FFC];
	_ =	sdelay $0x3  }
0x94: {  	_ =	strace s3  }
0x95: {  	s3 =	sld [smem:$0x3FFD];
	_ =	sdelay $0x3  }
0x96: {  	_ =	strace s3  }
0x97: {  	_ =	strace $0x8FFFFFFF  }
0x98: {  	s19 =	sld [smem:$0x3FDB];
	_ =	sdelay $0x1  }
0x99: {  	s4 =	simm.s32 $_scs_section_size  }
0x9a: {  	s5 =	simm.s32 $_size__tile_overlayer_lowered;
	s6 =	simm.s32 $_tile_overlayer_lowered  }
0x9b: {  	s22 =	simm.s32 $0x1BFF;
	s21 =	sshll.u32 s6, $0x1;
	s3 =	sadd.s32 s4, s19  }
0x9c: {  	s7 =	simm.s32 $0x0;
	s20 =	sshll.u32 s5, $0x1;
	s5 =	sadd.s32 s21, s3  }
0x9d: {  	[timem:s7], [sflag:s22] =	dma.local [hbm:s5], s20  }
0x9e: {  	_ =	swait.ge [sflag:s22], s20  }
0x9f: {  	s4 =	ssub.s32 $0x0, s20;
	[sflag:s22] =	ssyncset.done $0x0  }
0xa0: {  	[sflag:s22] =	ssyncadd.s32 s4;
	_ =	sdelay $0x1  }
0xa1: {  	s23 =	simm.s32 $0x1B8B  }
0xa2: {  	_ =	swait.ge [sflag:s23], $0x1  }
0xa3: {  	[sflag:s23] =	ssyncset.done $0x0  }
0xa4: {  	s25 =	simm.s32 $0x1B8E;
	s24 =	sld [smem:$0x3FFE];
	[sflag:s23] =	ssyncadd.s32 $0xFFFFFFFF  }
0xa5: {  	s26 =	simm.s32 $execute0_lowered;
	[smem:$0x3FD2] =	sst s25  }
0xa6: {  	s5 =	sshll.u32 s26, $0x1;
	_ =	strace $0x80000046;
	[dreg:$0x1] =	wrdreg $0xFFFFFFFF  }
0xa7: {  	s28 =	simm.s32 $_size_execute0_lowered;
	s3 =	sadd.s32 s3, s5;
	[dreg:$0x0] =	wrdreg $0x0  }
0xa8: {  	s5 =	sshll.u32 s28, $0x1;
	[dreg:$0x2] =	wrdreg s3  }
0xa9: {  	[dreg:$0x3] =	wrdreg s5  }
0xaa: {  	[dreg:$0x4] =	wrdreg $0xC0  }
0xab: {  	_ =	task [dreg:s7], $0x5FFFF  }
0xac: {  	[dreg:$0x1] =	wrdreg $0xFFFFFFFF  }
0xad: {  	[dreg:$0x0] =	wrdreg $0x60  }
0xae: {  	[dreg:$0x2] =	wrdreg s2  }
0xaf: {  	[dreg:$0x3] =	wrdreg s24  }
0xb0: {  	[dreg:$0x4] =	wrdreg $0x9  }
0xb1: {  	_ =	task.clear_ibuf [dreg:s7], $0x5FFFF;
	_ =	strace $0x90000046  }
0xb2: {  	s29 =	simm.s32 $0x9;
	_ =	strace $0x80000048  }
0xb3: {  	_ =	swait.ge [sflag:s29], $0x1  }
0xb4: {  	[sflag:s29] =	ssyncadd.s32 $0xFFFFFFFF  }
0xb5: {  	_ =	strace $0x90000048  }
0xb6: {  	_ =	sfence  }
0xb7: {  	s30 =	sld [smem:$0x0];
	_ =	sdelay $0x2  }
0xb8: {  	s31 =	sshll.u32 s1, $0xD;
	s1 =	sshrl.u32 s1, $0x2  }
0xb9: {  	s3 =	sand.u32 $0x4000, s31;
	s1 =	sadd.s32 s1, s30  }
0xba: {  	s0 =	sor.u32 s3, s0;
	s1 =	sshll.u32 s1, $0x11  }
0xbb: {  	s0 =	sor.u32 s1, s0  }
0xbc: {  	s0 =	sadd.s32 $0x8F2B, s0  }
0xbd: {  	[sflag:s0] =	ssyncadd.remote.s32 $0x1  }
0xbe: {  	_ =	sfence.sel $0xFFFF  }
0xbf: {  	[dreg:$0x0] =	wrdreg $0xFFFFFFFF;
	(pc) =	sbr.abs _section_cstart, $3  }
0xc0: {  	[dreg:$0x1] =	wrdreg $0xFFFFFFFF  }
0xc1: {  	_ =	task.clear_ibuf [dreg:s7], $0x2FFFF;
	_ =	strace $0x9FFFFFFF  }
0xc2: {  	(tm) =	ssettm $0x7FFFFFFF  }
0xc3: {  	_ =	shalt  }
tec
execute0_lowered:
.L_overlay_start_1:
0x0: {  	(tag) =	ssettag $0x1  }
0x1: {  	s5 =	rddreg [dreg:$0x0]  }
0x2: {  	s0 =	rddreg [dreg:$0x1];
	s2 =	simm.s32 $0x0  }
0x3: {  	[smem:$0x7FF] =	sst s2;
	s3 =	sadd.s32 $0xF42800, s0  }
0x4: {  	s7 =	sadd.s32 $0xF43280, s0;
	_ =	strace $0x80000047;
	[dreg:$0x3] =	wrdreg s3  }
0x5: {  	s21 =	sadd.s32 $0xF43600, s0;
	[dreg:$0x4] =	wrdreg s7  }
0x6: {  	s22 =	sadd.s32 $0xF43980, s0;
	[dreg:$0x5] =	wrdreg s21  }
0x7: {  	s8 =	sadd.s32 $0xF43D00, s0;
	[dreg:$0x6] =	wrdreg s22  }
0x8: {  	s1 =	srdreg.scid;
	s24 =	sadd.s32 $0xF44080, s0;
	[dreg:$0x7] =	wrdreg s8  }
0x9: {  	s20 =	stileid.u32;
	s25 =	sadd.s32 $0xF44780, s0;
	[dreg:$0x8] =	wrdreg s24  }
0xa: {  	s4 =	sadd.s32 $0x400, s0;
	s26 =	sadd.s32 $0xF44B00, s0;
	[dreg:$0x9] =	wrdreg s25  }
0xb: {  	s1 =	sand.u32 $0x1, s1;
	s28 =	sadd.s32 $0xF44E80, s0;
	[dreg:$0xa] =	wrdreg s26  }
0xc: {  	s29 =	sadd.s32 $0xF45200, s0;
	s30 =	sadd.s32 $0xF45580, s0;
	[dreg:$0xc] =	wrdreg s28  }
0xd: {  	s31 =	sadd.s32 $0xF45900, s0;
	s0 =	sadd.s32 $0xF45C80, s0;
	[dreg:$0xd] =	wrdreg s29  }
0xe: {  	s6 =	sshll.u32 s1, $0x9;
	s1 =	ssub.s32 $0x2, s1;
	[dreg:$0xf] =	wrdreg s30  }
0xf: {  	s3 =	sshll.u32 s20, $0xA;
	[dreg:$0x10] =	wrdreg s31;
	s23 =	sshrl.u32 s1, $0x1  }
0x10: {  	[dreg:$0x11] =	wrdreg s0;
	s3 =	sor.u32 s6, s3;
	s1 =	ssub.s32 s1, s23  }
0x11: {  	[dreg:$0xb] =	wrdreg s3;
	s1 =	smax.u32 s1, $0x1  }
0x12: {  	s3 =	simm.s32 $0x0;
	[dreg:$0xe] =	wrdreg s1  }
.LBB2_1:
0x13: {  	[dreg:$0x12] =	wrdreg s3;
	s29 =	simm.s32 $0x0  }
.LBB2_2:
0x14: {  	s1 =	sshll.u32 s29, $0x4;
	s0 =	rddreg [dreg:$0xb]  }
0x15: {  	s31 =	sor.u32 s0, s1  }
0x16: {  	s1 =	smul.u32 $0x32, s31;
	_ =	sdelay $0x1  }
0x17: {  	s1 =	sshrl.u32 s1, $0x3  }
0x18: {  	s11 =	simm.s32 $0x5;
	s1 =	sadd.s32 s5, s1  }
0x19: {  	[tilespmem:s2], [sflag:$0x5] =	stream.linear.gather [hbm4b:s1+s2], $0x190, $0x38;
	[tilespmem:$0x19400] =	vst v63  }
0x1a: {  	_ =	swait.ge [sflag:s11], $0x190  }
0x1b: {  	p0 =	seq.s32 s29, $0x0;
	[sflag:s11] =	ssyncset.done $0x0  }
0x1c: {  	s1 =	simm.s32 @!p0 $0x3;
	[sflag:s11] =	ssyncadd.s32 $0xFFFFFE70  }
0x1d: {  	_ =	swait.ge @!p0 [sflag:s1], $0xC800  }
0x1e: {  	[sflag:s1] =	ssyncset.done @!p0 $0x0  }
0x1f: {  	s12 =	simm.s32 $0x0;
	[sflag:s1] =	ssyncadd.s32 @!p0 $0xFFFF3800  }
0x20: {  	v0 =	vld [tilespmem:s12+$0x0];
	_ =	sdelay $0x4  }
0x21: {  	v0 =	vshll.u32 v0, $0x4  }
0x22: {  	(v2sf) =	vpush v0, $0x2  }
0x23: {  	(v2sf) =	vpush v0, $0x0  }
0x24: {  	(v2sf) =	vpush v0, $0x1;
	_ =	sdelay $0x2  }
0x25: {  	(v2sf) =	vpush v0, $0x3;
	_ =	sdelay $0x1  }
0x26: {  	(v2sf) =	vpush v0, $0x4;
	_ =	sdelay $0x1  }
0x27: {  	(v2sf) =	vpush v0, $0x5;
	_ =	sdelay $0x1  }
0x28: {  	p1 =	por $0x1, $0x1;
	s3 =	simm.s32 $0x4000;
	(v2sf) =	vpush v0, $0x6  }
0x29: {  	s7 =	simm.s32 $0x480;
	s9 =	simm.s32 $0x400;
	s16 =	simm.s32 $0xB80  }
0x2a: {  	s14 =	simm.s32 $0x680;
	s15 =	simm.s32 $0x500;
	s19 =	simm.s32 $0x580  }
0x2b: {  	s21 =	simm.s32 $0x600;
	s23 =	simm.s32 $0x800;
	p3 =	por $0x1, $0x1  }
0x2c: {  	s26 =	simm.s32 $0x700;
	s10 =	simm.s32 $0x780;
	s13 =	spop (v2sf);
	(v2sf) =	vpush v0, $0x7  }
0x2d: {  	s30 =	simm.s32 $0x800;
	p1 =	por p1, p1;
	s6 =	spop (v2sf)  }
0x2e: {  	s0 =	simm.s32 $0x900;
	(v2sf) =	vpush v0, $0x8;
	s6 =	sand.u32 $0x1FFFFFF0, s6;
	s8 =	spop (v2sf)  }
0x2f: {  	p2 =	por p1, p1;
	(v2sf) =	vpush v0, $0x9;
	s6 =	sadd.s32 s4, s6;
	s8 =	sand.u32 $0x1FFFFFF0, s8  }
0x30: {  	[tilespmem:s9], [sflag:$0x1] =	stream.linear.gather [hbm4b:s6+s2], $0x80, $0x38;
	[tilespmem:$0x19400] =	vst v63  }
0x31: {  	s1 =	sand.u32 $0x1FFFFFF0, s13;
	s17 =	spop (v2sf);
	(v2sf) =	vpush v0, $0xA;
	s8 =	sadd.s32 s4, s8  }
0x32: {  	[tilespmem:s7], [sflag:$0x1] =	stream.linear.gather [hbm4b:s8+s2], $0x80, $0x38;
	[tilespmem:$0x19400] =	vst v63  }
0x33: {  	s1 =	sadd.s32 s4, s1;
	s18 =	spop (v2sf);
	(v2sf) =	vpush v0, $0xB;
	s8 =	sand.u32 $0x1FFFFFF0, s17  }
0x34: {  	[tilespmem:s15], [sflag:$0x1] =	stream.linear.gather [hbm4b:s1+s2], $0x80, $0x38;
	[tilespmem:$0x19400] =	vst v63  }
0x35: {  	s20 =	sand.u32 $0x1FFFFFF0, s18;
	s22 =	spop (v2sf);
	(v2sf) =	vpush v0, $0xC;
	s8 =	sadd.s32 s4, s8  }
0x36: {  	[tilespmem:s19], [sflag:$0x1] =	stream.linear.gather [hbm4b:s8+s2], $0x80, $0x38;
	[tilespmem:$0x19400] =	vst v63  }
0x37: {  	s7 =	sadd.s32 s4, s20;
	s24 =	sand.u32 $0x1FFFFFF0, s22;
	s25 =	spop (v2sf);
	(v2sf) =	vpush v0, $0xD  }
0x38: {  	[tilespmem:s21], [sflag:$0x1] =	stream.linear.gather [hbm4b:s7+s2], $0x80, $0x38;
	[tilespmem:$0x19400] =	vst v63  }
0x39: {  	p1 =	por p3, p3;
	s8 =	sand.u32 $0x1FFFFFF0, s25;
	s7 =	sadd.s32 s4, s24  }
0x3a: {  	[tilespmem:s14], [sflag:$0x1] =	stream.linear.gather [hbm4b:s7+s2], $0x80, $0x38;
	[tilespmem:$0x19400] =	vst v63  }
0x3b: {  	s11 =	simm.s32 $0x880;
	(v2sf) =	vpush v0, $0xE;
	s8 =	sadd.s32 s4, s8;
	s28 =	spop (v2sf)  }
0x3c: {  	[tilespmem:s26], [sflag:$0x1] =	stream.linear.gather [hbm4b:s8+s2], $0x80, $0x38;
	[tilespmem:$0x19400] =	vst v63  }
0x3d: {  	s18 =	simm.s32 $0x980;
	(v2sf) =	vpush v0, $0xF;
	s7 =	sand.u32 $0x1FFFFFF0, s28;
	s9 =	spop (v2sf)  }
0x3e: {  	s8 =	sand.u32 $0x1FFFFFF0, s9;
	s7 =	sadd.s32 s4, s7;
	s12 =	spop (v2sf)  }
0x3f: {  	[tilespmem:s10], [sflag:$0x1] =	stream.linear.gather [hbm4b:s7+s2], $0x80, $0x38;
	[tilespmem:$0x19400] =	vst v63  }
0x40: {  	s8 =	sadd.s32 s4, s8;
	s13 =	sand.u32 $0x1FFFFFF0, s12;
	s14 =	spop (v2sf)  }
0x41: {  	[tilespmem:s23], [sflag:$0x1] =	stream.linear.gather [hbm4b:s8+s2], $0x80, $0x38;
	[tilespmem:$0x19400] =	vst v63  }
0x42: {  	s1 =	sadd.s32 s4, s13;
	s17 =	spop (v2sf);
	s8 =	sand.u32 $0x1FFFFFF0, s14  }
0x43: {  	[tilespmem:s11], [sflag:$0x1] =	stream.linear.gather [hbm4b:s1+s2], $0x80, $0x38;
	[tilespmem:$0x19400] =	vst v63  }
0x44: {  	s7 =	sand.u32 $0x1FFFFFF0, s17;
	s19 =	spop (v2sf);
	s8 =	sadd.s32 s4, s8  }
0x45: {  	[tilespmem:s0], [sflag:$0x1] =	stream.linear.gather [hbm4b:s8+s2], $0x80, $0x38;
	[tilespmem:$0x19400] =	vst v63  }
0x46: {  	s20 =	spop (v2sf);
	s7 =	sadd.s32 s4, s7;
	s8 =	sand.u32 $0x1FFFFFF0, s19  }
0x47: {  	[tilespmem:s18], [sflag:$0x1] =	stream.linear.gather [hbm4b:s7+s2], $0x80, $0x38;
	[tilespmem:$0x19400] =	vst v63  }
0x48: {  	s15 =	simm.s32 $0xA00;
	s21 =	sand.u32 $0x1FFFFFF0, s20;
	s8 =	sadd.s32 s4, s8  }
0x49: {  	[tilespmem:s15], [sflag:$0x1] =	stream.linear.gather [hbm4b:s8+s2], $0x80, $0x38;
	[tilespmem:$0x19400] =	vst v63  }
0x4a: {  	s24 =	simm.s32 $0xA80;
	s22 =	spop (v2sf);
	s6 =	sadd.s32 s4, s21  }
0x4b: {  	[tilespmem:s24], [sflag:$0x1] =	stream.linear.gather [hbm4b:s6+s2], $0x80, $0x38;
	[tilespmem:$0x19400] =	vst v63  }
0x4c: {  	s25 =	simm.s32 $0xB00;
	s23 =	sand.u32 $0x1FFFFFF0, s22;
	s26 =	spop (v2sf)  }
0x4d: {  	s22 =	simm.s32 $0x10;
	s1 =	sadd.s32 s4, s23;
	s28 =	sand.u32 $0x1FFFFFF0, s26  }
0x4e: {  	[tilespmem:s25], [sflag:$0x1] =	stream.linear.gather [hbm4b:s1+s2], $0x80, $0x38;
	[tilespmem:$0x19400] =	vst v63  }
0x4f: {  	s23 =	simm.s32 $0x2;
	s25 =	simm.s32 @!p2 $0x1;
	s1 =	sadd.s32 s4, s28  }
.LBB2_3:
0x50: {  	s12 =	sadd.s32 $0x480, s30  }
0x51: {  	s8 =	sadd.s32 $0xB80, s30;
	s24 =	smov.u32 s3;
	s3 =	sadd.s32 $0x2000, s3  }
0x52: {  	[tilespmem:s16], [sflag:$0x1] =	stream.linear.gather [hbm4b:s1+s2], $0x80, $0x38;
	[tilespmem:$0x19400] =	vst v63  }
0x53: {  	s6 =	sadd.s32 $0x680, s30;
	s26 =	sadd.s32 $0x800, s30;
	_ =	swait.ge @!p2 [sflag:s25], $0x800  }
0x54: {  	s15 =	sadd.s32 $0x400, s30;
	s10 =	sadd.s32 $0x600, s30;
	[sflag:s25] =	ssyncset.done @!p2 $0x0  }
0x55: {  	p4 =	slt.u32 s23, $0x10;
	s7 =	sadd.s32 $0x700, s30;
	[sflag:s25] =	ssyncadd.s32 @!p2 $0xFFFFF800  }
0x56: {  	s13 =	sadd.s32 $0x500, s30;
	s28 =	sadd.s32 $0x900, s30;
	p3 =	sne.s32 s3, $0x32000;
	v0 =	vld [tilespmem:s22+$0x0]  }
0x57: {  	s1 =	sadd.s32 $0x880, s30;
	s16 =	smov.u32 s8;
	p2 =	por p1, p1  }
0x58: {  	p1 =	por p4, p4;
	_ =	sdelay $0x1  }
0x59: {  	s14 =	sadd.s32 $0x580, s30  }
0x5a: {  	v0 =	vshll.u32 v0, $0x4  }
0x5b: {  	(v2sf) =	vpush v0, $0x2  }
0x5c: {  	(v2sf) =	vpush v0, $0x0  }
0x5d: {  	(v2sf) =	vpush v0, $0x1  }
0x5e: {  	(v2sf) =	vpush v0, $0x3;
	_ =	sdelay $0x1  }
0x5f: {  	(v2sf) =	vpush v0, $0x4;
	_ =	sdelay $0x1  }
0x60: {  	(v2sf) =	vpush v0, $0x5;
	_ =	sdelay $0x1  }
0x61: {  	(v2sf) =	vpush v0, $0x6;
	_ =	sdelay $0x1  }
0x62: {  	(v2sf) =	vpush v0, $0x7;
	_ =	sdelay $0x1  }
0x63: {  	s8 =	sadd.s32 $0xA00, s30;
	(v2sf) =	vpush v0, $0x8  }
0x64: {  	s11 =	sadd.s32 $0x980, s30;
	s22 =	sadd.s32 $0x10, s22  }
0x65: {  	s23 =	sadd.s32 $0x1, s23;
	s25 =	simm.s32 @!p2 $0x1;
	s9 =	spop (v2sf);
	(v2sf) =	vpush v0, $0x9  }
0x66: {  	s17 =	sand.u32 $0x1FFFFFF0, s9;
	s9 =	sadd.s32 $0xB00, s30;
	s18 =	spop (v2sf)  }
0x67: {  	s19 =	sadd.s32 $0x780, s30;
	s18 =	sand.u32 $0x1FFFFFF0, s18;
	s21 =	spop (v2sf);
	(v2sf) =	vpush v0, $0xA  }
0x68: {  	s18 =	sadd.s32 s4, s18;
	s21 =	sand.u32 $0x1FFFFFF0, s21;
	s0 =	spop (v2sf)  }
0x69: {  	[tilespmem:s15], [sflag:$0x1] =	stream.linear.gather [hbm4b:s18+s2], $0x80, $0x38;
	(v2sf) =	vpush v0, $0xB;
	[tilespmem:$0x19400] =	vst v63  }
0x6a: {  	s15 =	sadd.s32 s4, s21;
	s0 =	sand.u32 $0x1FFFFFF0, s0;
	s18 =	spop (v2sf)  }
0x6b: {  	[tilespmem:s12], [sflag:$0x1] =	stream.linear.gather [hbm4b:s15+s2], $0x80, $0x38;
	(v2sf) =	vpush v0, $0xC;
	[tilespmem:$0x19400] =	vst v63  }
0x6c: {  	s12 =	sadd.s32 s4, s17;
	s15 =	sand.u32 $0x1FFFFFF0, s18;
	s17 =	spop (v2sf)  }
0x6d: {  	[tilespmem:s13], [sflag:$0x1] =	stream.linear.gather [hbm4b:s12+s2], $0x80, $0x38;
	(v2sf) =	vpush v0, $0xD;
	[tilespmem:$0x19400] =	vst v63  }
0x6e: {  	s0 =	sadd.s32 s4, s0;
	s12 =	sand.u32 $0x1FFFFFF0, s17;
	s13 =	spop (v2sf)  }
0x6f: {  	[tilespmem:s14], [sflag:$0x1] =	stream.linear.gather [hbm4b:s0+s2], $0x80, $0x38;
	(v2sf) =	vpush v0, $0xE;
	[tilespmem:$0x19400] =	vst v63  }
0x70: {  	s0 =	sadd.s32 s4, s15;
	s13 =	sand.u32 $0x1FFFFFF0, s13;
	s14 =	spop (v2sf)  }
0x71: {  	[tilespmem:s10], [sflag:$0x1] =	stream.linear.gather [hbm4b:s0+s2], $0x80, $0x38;
	(v2sf) =	vpush v0, $0xF;
	[tilespmem:$0x19400] =	vst v63  }
0x72: {  	s0 =	sadd.s32 s4, s12;
	s10 =	sand.u32 $0x1FFFFFF0, s14;
	s12 =	spop (v2sf)  }
0x73: {  	[tilespmem:s6], [sflag:$0x1] =	stream.linear.gather [hbm4b:s0+s2], $0x80, $0x38;
	[tilespmem:$0x19400] =	vst v63  }
0x74: {  	s0 =	sadd.s32 s4, s13;
	s6 =	sand.u32 $0x1FFFFFF0, s12;
	s12 =	spop (v2sf)  }
0x75: {  	[tilespmem:s7], [sflag:$0x1] =	stream.linear.gather [hbm4b:s0+s2], $0x80, $0x38;
	[tilespmem:$0x19400] =	vst v63  }
0x76: {  	s0 =	sadd.s32 s4, s10;
	s7 =	sand.u32 $0x1FFFFFF0, s12;
	s10 =	spop (v2sf)  }
0x77: {  	[tilespmem:s19], [sflag:$0x1] =	stream.linear.gather [hbm4b:s0+s2], $0x80, $0x38;
	[tilespmem:$0x19400] =	vst v63  }
0x78: {  	s0 =	sadd.s32 s4, s6;
	s6 =	sand.u32 $0x1FFFFFF0, s10;
	s10 =	spop (v2sf)  }
0x79: {  	[tilespmem:s26], [sflag:$0x1] =	stream.linear.gather [hbm4b:s0+s2], $0x80, $0x38;
	[tilespmem:$0x19400] =	vst v63  }
0x7a: {  	s0 =	sadd.s32 s4, s7;
	s7 =	sand.u32 $0x1FFFFFF0, s10;
	s10 =	spop (v2sf)  }
0x7b: {  	[tilespmem:s1], [sflag:$0x1] =	stream.linear.gather [hbm4b:s0+s2], $0x80, $0x38;
	[tilespmem:$0x19400] =	vst v63  }
0x7c: {  	s0 =	sadd.s32 s4, s6;
	s1 =	sand.u32 $0x1FFFFFF0, s10;
	s6 =	spop (v2sf)  }
0x7d: {  	[tilespmem:s28], [sflag:$0x1] =	stream.linear.gather [hbm4b:s0+s2], $0x80, $0x38;
	[tilespmem:$0x19400] =	vst v63  }
0x7e: {  	s0 =	sadd.s32 s4, s7;
	s6 =	sand.u32 $0x1FFFFFF0, s6;
	s7 =	spop (v2sf)  }
0x7f: {  	[tilespmem:s11], [sflag:$0x1] =	stream.linear.gather [hbm4b:s0+s2], $0x80, $0x38;
	[tilespmem:$0x19400] =	vst v63  }
0x80: {  	s0 =	sadd.s32 s4, s1;
	s1 =	sand.u32 $0x1FFFFFF0, s7;
	s7 =	spop (v2sf)  }
0x81: {  	[tilespmem:s8], [sflag:$0x1] =	stream.linear.gather [hbm4b:s0+s2], $0x80, $0x38;
	[tilespmem:$0x19400] =	vst v63  }
.Ltmp0:
0x82: {  	_ = 	snop;
	(pc) =	sbr.rel @p3 .LBB2_3-.Ltmp0, $4  }
0x83: {  	s6 =	sadd.s32 s4, s6;
	s0 =	sadd.s32 $0xA80, s30;
	s7 =	sand.u32 $0x1FFFFFF0, s7  }
0x84: {  	[tilespmem:s0], [sflag:$0x1] =	stream.linear.gather [hbm4b:s6+s2], $0x80, $0x38;
	[tilespmem:$0x19400] =	vst v63  }
0x85: {  	s30 =	sshra.s32 s24, $0x2;
	s0 =	sadd.s32 s4, s1;
	s1 =	sadd.s32 s4, s7  }
0x86: {  	[tilespmem:s9], [sflag:$0x1] =	stream.linear.gather [hbm4b:s0+s2], $0x80, $0x38;
	[tilespmem:$0x19400] =	vst v63  }
0x87: {  	[tilespmem:s16], [sflag:$0x1] =	stream.linear.gather [hbm4b:s1+s2], $0x80, $0x38;
	[tilespmem:$0x19400] =	vst v63  }
0x88: {  	_ =	swait.ge @!p2 [sflag:s25], $0x800  }
0x89: {  	[sflag:s25] =	ssyncset.done @!p2 $0x0  }
0x8a: {  	[sflag:s25] =	ssyncadd.s32 @!p2 $0xFFFFF800  }
0x8b: {  	v0 =	vld [tilespmem:s22+$0x0];
	_ =	sdelay $0x4  }
0x8c: {  	v0 =	vshll.u32 v0, $0x4  }
0x8d: {  	(v2sf) =	vpush v0, $0x2  }
0x8e: {  	(v2sf) =	vpush v0, $0x0  }
0x8f: {  	(v2sf) =	vpush v0, $0x1  }
0x90: {  	(v2sf) =	vpush v0, $0x3;
	_ =	sdelay $0x1  }
0x91: {  	(v2sf) =	vpush v0, $0x4;
	_ =	sdelay $0x1  }
0x92: {  	(v2sf) =	vpush v0, $0x5;
	_ =	sdelay $0x1  }
0x93: {  	(v2sf) =	vpush v0, $0x6;
	_ =	sdelay $0x1  }
0x94: {  	(v2sf) =	vpush v0, $0x7  }
0x95: {  	s0 =	sadd.s32 $0x480, s30;
	s3 =	sadd.s32 $0x680, s30;
	s6 =	sadd.s32 $0x800, s30  }
0x96: {  	s7 =	sadd.s32 $0x400, s30;
	s8 =	sadd.s32 $0x600, s30;
	s9 =	sadd.s32 $0x700, s30;
	(v2sf) =	vpush v0, $0x8  }
0x97: {  	s10 =	sadd.s32 $0x500, s30;
	s11 =	sadd.s32 $0x900, s30;
	s12 =	sadd.s32 $0x880, s30  }
0x98: {  	p1 =	por p1, p1;
	s13 =	sadd.s32 $0x580, s30;
	s14 =	spop (v2sf);
	(v2sf) =	vpush v0, $0x9  }
0x99: {  	s1 =	sadd.s32 $0xA00, s30;
	s15 =	sadd.s32 $0x980, s30;
	s25 =	spop (v2sf)  }
0x9a: {  	s14 =	sand.u32 $0x1FFFFFF0, s14;
	(v2sf) =	vpush v0, $0xA;
	s16 =	sand.u32 $0x1FFFFFF0, s25;
	s17 =	spop (v2sf)  }
0x9b: {  	s16 =	sadd.s32 s4, s16;
	s17 =	sand.u32 $0x1FFFFFF0, s17;
	s18 =	spop (v2sf)  }
0x9c: {  	[tilespmem:s7], [sflag:$0x1] =	stream.linear.gather [hbm4b:s16+s2], $0x80, $0x38;
	[tilespmem:$0x19400] =	vst v63  }
0x9d: {  	s14 =	sadd.s32 s4, s14;
	s26 =	sadd.s32 s4, s17;
	s28 =	spop (v2sf)  }
0x9e: {  	(v2sf) =	vpush v0, $0xB;
	[tilespmem:s0], [sflag:$0x1] =	stream.linear.gather [hbm4b:s26+s2], $0x80, $0x38;
	[tilespmem:$0x19400] =	vst v63  }
0x9f: {  	s7 =	sadd.s32 $0x780, s30;
	s16 =	sand.u32 $0x1FFFFFF0, s18;
	s18 =	spop (v2sf)  }
0xa0: {  	(v2sf) =	vpush v0, $0xC;
	[tilespmem:s10], [sflag:$0x1] =	stream.linear.gather [hbm4b:s14+s2], $0x80, $0x38;
	[tilespmem:$0x19400] =	vst v63  }
0xa1: {  	s19 =	sand.u32 $0x1FFFFFF0, s28;
	s0 =	sadd.s32 s4, s16;
	s20 =	spop (v2sf)  }
0xa2: {  	(v2sf) =	vpush v0, $0xD;
	[tilespmem:s13], [sflag:$0x1] =	stream.linear.gather [hbm4b:s0+s2], $0x80, $0x38;
	[tilespmem:$0x19400] =	vst v63  }
0xa3: {  	s21 =	sand.u32 $0x1FFFFFF0, s18;
	s22 =	spop (v2sf);
	s10 =	sadd.s32 s4, s19  }
0xa4: {  	(v2sf) =	vpush v0, $0xE;
	[tilespmem:s8], [sflag:$0x1] =	stream.linear.gather [hbm4b:s10+s2], $0x80, $0x38;
	[tilespmem:$0x19400] =	vst v63  }
0xa5: {  	s23 =	sand.u32 $0x1FFFFFF0, s20;
	s24 =	spop (v2sf);
	s0 =	sadd.s32 s4, s21  }
0xa6: {  	(v2sf) =	vpush v0, $0xF;
	[tilespmem:s3], [sflag:$0x1] =	stream.linear.gather [hbm4b:s0+s2], $0x80, $0x38;
	[tilespmem:$0x19400] =	vst v63  }
0xa7: {  	s25 =	sand.u32 $0x1FFFFFF0, s22;
	s26 =	sadd.s32 s4, s23;
	s28 =	spop (v2sf)  }
0xa8: {  	[tilespmem:s9], [sflag:$0x1] =	stream.linear.gather [hbm4b:s26+s2], $0x80, $0x38;
	[tilespmem:$0x19400] =	vst v63  }
0xa9: {  	s0 =	sadd.s32 s4, s25;
	s9 =	sand.u32 $0x1FFFFFF0, s24;
	s10 =	spop (v2sf)  }
0xaa: {  	[tilespmem:s7], [sflag:$0x1] =	stream.linear.gather [hbm4b:s0+s2], $0x80, $0x38;
	[tilespmem:$0x19400] =	vst v63  }
0xab: {  	s13 =	sand.u32 $0x1FFFFFF0, s28;
	s24 =	sadd.s32 $0xA80, s30;
	s3 =	sadd.s32 s4, s9  }
0xac: {  	[tilespmem:s6], [sflag:$0x1] =	stream.linear.gather [hbm4b:s3+s2], $0x80, $0x38;
	[tilespmem:$0x19400] =	vst v63  }
0xad: {  	s14 =	spop (v2sf);
	s16 =	sand.u32 $0x1FFFFFF0, s10;
	s0 =	sadd.s32 s4, s13  }
0xae: {  	[tilespmem:s12], [sflag:$0x1] =	stream.linear.gather [hbm4b:s0+s2], $0x80, $0x38;
	[tilespmem:$0x19400] =	vst v63  }
0xaf: {  	s17 =	spop (v2sf);
	s18 =	sand.u32 $0x1FFFFFF0, s14;
	s3 =	sadd.s32 s4, s16  }
0xb0: {  	[tilespmem:s11], [sflag:$0x1] =	stream.linear.gather [hbm4b:s3+s2], $0x80, $0x38;
	[tilespmem:$0x19400] =	vst v63  }
0xb1: {  	s19 =	spop (v2sf);
	s20 =	sand.u32 $0x1FFFFFF0, s17;
	s0 =	sadd.s32 s4, s18  }
0xb2: {  	[tilespmem:s15], [sflag:$0x1] =	stream.linear.gather [hbm4b:s0+s2], $0x80, $0x38;
	[tilespmem:$0x19400] =	vst v63  }
0xb3: {  	s21 =	spop (v2sf);
	s22 =	sand.u32 $0x1FFFFFF0, s19;
	s3 =	sadd.s32 s4, s20  }
0xb4: {  	[tilespmem:s1], [sflag:$0x1] =	stream.linear.gather [hbm4b:s3+s2], $0x80, $0x38;
	[tilespmem:$0x19400] =	vst v63  }
0xb5: {  	s6 =	sand.u32 $0x1FFFFFF0, s21;
	s23 =	spop (v2sf);
	s0 =	sadd.s32 s4, s22  }
0xb6: {  	[tilespmem:s24], [sflag:$0x1] =	stream.linear.gather [hbm4b:s0+s2], $0x80, $0x38;
	[tilespmem:$0x19400] =	vst v63  }
0xb7: {  	s25 =	sadd.s32 $0xB00, s30;
	s26 =	sadd.s32 s4, s6;
	s1 =	sand.u32 $0x1FFFFFF0, s23  }
0xb8: {  	[tilespmem:s25], [sflag:$0x1] =	stream.linear.gather [hbm4b:s26+s2], $0x80, $0x38;
	[tilespmem:$0x19400] =	vst v63  }
0xb9: {  	s28 =	sadd.s32 $0xB80, s30;
	s3 =	simm.s32 @!p1 $0x1;
	s1 =	sadd.s32 s4, s1  }
0xba: {  	[tilespmem:s28], [sflag:$0x1] =	stream.linear.gather [hbm4b:s1+s2], $0x80, $0x38;
	[tilespmem:$0x19400] =	vst v63  }
0xbb: {  	_ =	swait.ge @!p1 [sflag:s3], $0x800  }
0xbc: {  	[sflag:s3] =	ssyncset.done @!p1 $0x0  }
0xbd: {  	s30 =	simm.s32 $0x1;
	[sflag:s3] =	ssyncadd.s32 @!p1 $0xFFFFF800  }
0xbe: {  	_ =	swait.ge [sflag:s30], $0x8000  }
0xbf: {  	[sflag:s30] =	ssyncset.done $0x0  }
0xc0: {  	s1 =	simm.s32 $0x0;
	[sflag:s30] =	ssyncadd.s32 $0xFFFF8000  }
0xc1: {  	v0 =	vld [tilespmem:s1+$0x400]  }
0xc2: {  	v2 =	vld [tilespmem:s1+$0x410]  }
0xc3: {  	s3 =	simm.s32 $0x200;
	v1 =	vld [tilespmem:s1+$0x420]  }
.LBB2_5:
0xc4: {  	p1 =	sne.s32 s3, $0x31E00;
	v3 =	vld [tilespmem:s1+$0x430];
	_ =	sdelay $0x1  }
0xc5: {  	v0 =	vmul.f32 $8.000000000e+00, v0  }
.Ltmp1:
0xc6: {  	v2 =	vmul.f32 $8.000000000e+00, v2;
	(pc) =	sbr.rel @p1 .LBB2_5-.Ltmp1, $4  }
0xc7: {  	s0 =	sshra.s32 s3, $0x2;
	[tilespmem:s1+$0x400] =	vst v0;
	v1 =	vmul.f32 $8.000000000e+00, v1  }
0xc8: {  	v0 =	vld [tilespmem:s0+$0x400];
	[tilespmem:s1+$0x410] =	vst v2;
	v3 =	vmul.f32 $8.000000000e+00, v3  }
0xc9: {  	v2 =	vld [tilespmem:s0+$0x410];
	[tilespmem:s1+$0x420] =	vst v1  }
0xca: {  	s3 =	sadd.s32 $0x200, s3;
	v1 =	vld [tilespmem:s0+$0x420];
	[tilespmem:s1+$0x430] =	vst v3;
	s1 =	smov.u32 s0  }
0xcb: {  	v3 =	vld [tilespmem:s1+$0x430];
	_ =	sdelay $0x1  }
0xcc: {  	v0 =	vmul.f32 $8.000000000e+00, v0  }
0xcd: {  	v2 =	vmul.f32 $8.000000000e+00, v2  }
0xce: {  	[tilespmem:s1+$0x400] =	vst v0;
	v61 =	vmul.f32 $8.000000000e+00, v1  }
0xcf: {  	s30 =	smul.u32 $0x380, s31;
	[tilespmem:s1+$0x410] =	vst v2;
	v62 =	vmul.f32 $8.000000000e+00, v3  }
0xd0: {  	s0 =	rddreg [dreg:$0x3];
	[tilespmem:s1+$0x420] =	vst v61  }
0xd1: {  	s14 =	simm.s32 $0x400;
	s3 =	simm.s32 $0x1D00;
	s0 =	sadd.s32 s0, s30;
	[tilespmem:s1+$0x430] =	vst v62  }
0xd2: {  	[hbm4b:s0+s2] =	stream.linear.scatter [tilespmem:s14], [sflag:$0x3], $0x1900, $0x38;
	[tilespmem:$0x19400] =	vst v63  }
0xd3: {  	s16 =	simm.s32 $0x3600;
	s17 =	rddreg [dreg:$0x4];
	s15 =	sadd.s32 $0x380, s0  }
0xd4: {  	[hbm4b:s15+s2] =	stream.linear.scatter [tilespmem:s3], [sflag:$0x3], $0x1900, $0x38;
	[tilespmem:$0x19400] =	vst v63  }
0xd5: {  	s18 =	simm.s32 $0x4F00;
	s19 =	rddreg [dreg:$0x5];
	s0 =	sadd.s32 $0x700, s0  }
0xd6: {  	[hbm4b:s0+s2] =	stream.linear.scatter [tilespmem:s16], [sflag:$0x3], $0x1900, $0x38;
	[tilespmem:$0x19400] =	vst v63  }
0xd7: {  	s20 =	simm.s32 $0x6800;
	s21 =	rddreg [dreg:$0x6];
	s0 =	sadd.s32 s17, s30  }
0xd8: {  	[hbm4b:s0+s2] =	stream.linear.scatter [tilespmem:s18], [sflag:$0x3], $0x1900, $0x38;
	[tilespmem:$0x19400] =	vst v63  }
0xd9: {  	s22 =	simm.s32 $0x8100;
	s23 =	rddreg [dreg:$0x7];
	s0 =	sadd.s32 s19, s30  }
0xda: {  	[hbm4b:s0+s2] =	stream.linear.scatter [tilespmem:s20], [sflag:$0x3], $0x1900, $0x38;
	[tilespmem:$0x19400] =	vst v63  }
0xdb: {  	s24 =	simm.s32 $0x9A00;
	s31 =	sor.u32 $0x8, s31;
	s0 =	sadd.s32 s21, s30  }
0xdc: {  	[hbm4b:s0+s2] =	stream.linear.scatter [tilespmem:s22], [sflag:$0x3], $0x1900, $0x38;
	[tilespmem:$0x19400] =	vst v63  }
0xdd: {  	s25 =	rddreg [dreg:$0x8];
	s26 =	smul.u32 $0x32, s31;
	s0 =	sadd.s32 s23, s30  }
0xde: {  	[hbm4b:s0+s2] =	stream.linear.scatter [tilespmem:s24], [sflag:$0x3], $0x1900, $0x38;
	[tilespmem:$0x19400] =	vst v63  }
0xdf: {  	s28 =	simm.s32 $0xB300;
	s3 =	sshrl.u32 s26, $0x3;
	s0 =	sadd.s32 s25, s30  }
0xe0: {  	[hbm4b:s0+s2] =	stream.linear.scatter [tilespmem:s28], [sflag:$0x3], $0x1900, $0x38;
	[tilespmem:$0x19400] =	vst v63  }
0xe1: {  	s6 =	simm.s32 $0x200;
	s7 =	simm.s32 $0x5;
	s0 =	sadd.s32 s5, s3  }
0xe2: {  	[tilespmem:s6], [sflag:$0x5] =	stream.linear.gather [hbm4b:s0+s2], $0x190, $0x38;
	[tilespmem:$0x19400] =	vst v63  }
0xe3: {  	_ =	swait.ge [sflag:s7], $0x190  }
0xe4: {  	[sflag:s7] =	ssyncset.done $0x0  }
0xe5: {  	s0 =	simm.s32 @!p0 $0x4;
	[sflag:s7] =	ssyncadd.s32 $0xFFFFFE70  }
0xe6: {  	_ =	swait.ge @!p0 [sflag:s0], $0xC800  }
0xe7: {  	[sflag:s0] =	ssyncset.done @!p0 $0x0  }
0xe8: {  	s8 =	simm.s32 $0x200;
	[sflag:s0] =	ssyncadd.s32 @!p0 $0xFFFF3800  }
0xe9: {  	v63 =	vld [tilespmem:s8+$0x0];
	_ =	sdelay $0x4  }
0xea: {  	v0 =	vshll.u32 v63, $0x4  }
0xeb: {  	(v2sf) =	vpush v0, $0x2  }
0xec: {  	(v2sf) =	vpush v0, $0x0  }
0xed: {  	(v2sf) =	vpush v0, $0x1;
	_ =	sdelay $0x2  }
0xee: {  	(v2sf) =	vpush v0, $0x3;
	_ =	sdelay $0x1  }
0xef: {  	(v2sf) =	vpush v0, $0x4;
	_ =	sdelay $0x1  }
0xf0: {  	(v2sf) =	vpush v0, $0x5;
	_ =	sdelay $0x1  }
0xf1: {  	p6 =	por $0x1, $0x1;
	s11 =	simm.s32 $0xCC80;
	s12 =	simm.s32 $0xCE80;
	(v2sf) =	vpush v0, $0x6  }
0xf2: {  	s13 =	simm.s32 $0xCD00;
	p2 =	por $0x1, $0x1;
	s26 =	simm.s32 $0xCF00  }
0xf3: {  	s16 =	simm.s32 $0x4000;
	s17 =	simm.s32 $0xCD80;
	s19 =	simm.s32 $0xCE00  }
0xf4: {  	s20 =	smov.u32 s5;
	s22 =	simm.s32 $0xD380;
	s23 =	simm.s32 $0xD000  }
0xf5: {  	s5 =	simm.s32 $0xD100;
	s7 =	simm.s32 $0xCC00;
	s9 =	spop (v2sf);
	(v2sf) =	vpush v0, $0x7  }
0xf6: {  	p0 =	por p6, p6;
	s8 =	simm.s32 $0xCF80;
	s10 =	spop (v2sf)  }
0xf7: {  	p1 =	por p0, p0;
	(v2sf) =	vpush v0, $0x8;
	s1 =	sand.u32 $0x1FFFFFF0, s10;
	s6 =	spop (v2sf)  }
0xf8: {  	p0 =	por p2, p2;
	(v2sf) =	vpush v0, $0x9;
	s1 =	sadd.s32 s4, s1;
	s6 =	sand.u32 $0x1FFFFFF0, s6  }
0xf9: {  	[tilespmem:s7], [sflag:$0x2] =	stream.linear.gather [hbm4b:s1+s2], $0x80, $0x38;
	[tilespmem:$0x19400] =	vst v63  }
0xfa: {  	s0 =	sand.u32 $0x1FFFFFF0, s9;
	s14 =	spop (v2sf);
	(v2sf) =	vpush v0, $0xA;
	s6 =	sadd.s32 s4, s6  }
0xfb: {  	[tilespmem:s11], [sflag:$0x2] =	stream.linear.gather [hbm4b:s6+s2], $0x80, $0x38;
	[tilespmem:$0x19400] =	vst v63  }
0xfc: {  	s0 =	sadd.s32 s4, s0;
	s15 =	spop (v2sf);
	(v2sf) =	vpush v0, $0xB;
	s6 =	sand.u32 $0x1FFFFFF0, s14  }
0xfd: {  	[tilespmem:s13], [sflag:$0x2] =	stream.linear.gather [hbm4b:s0+s2], $0x80, $0x38;
	[tilespmem:$0x19400] =	vst v63  }
0xfe: {  	s18 =	sand.u32 $0x1FFFFFF0, s15;
	s21 =	spop (v2sf);
	(v2sf) =	vpush v0, $0xC;
	s6 =	sadd.s32 s4, s6  }
0xff: {  	[tilespmem:s17], [sflag:$0x2] =	stream.linear.gather [hbm4b:s6+s2], $0x80, $0x38;
	[tilespmem:$0x19400] =	vst v63  }
0x100: {  	s3 =	sadd.s32 s4, s18;
	s24 =	sand.u32 $0x1FFFFFF0, s21;
	s25 =	spop (v2sf);
	(v2sf) =	vpush v0, $0xD  }
0x101: {  	[tilespmem:s19], [sflag:$0x2] =	stream.linear.gather [hbm4b:s3+s2], $0x80, $0x38;
	[tilespmem:$0x19400] =	vst v63  }
0x102: {  	s9 =	simm.s32 $0xD080;
	(v2sf) =	vpush v0, $0xE;
	s6 =	sand.u32 $0x1FFFFFF0, s25;
	s3 =	sadd.s32 s4, s24  }
0x103: {  	[tilespmem:s12], [sflag:$0x2] =	stream.linear.gather [hbm4b:s3+s2], $0x80, $0x38;
	[tilespmem:$0x19400] =	vst v63  }
0x104: {  	s15 =	simm.s32 $0xD180;
	s6 =	sadd.s32 s4, s6;
	s28 =	spop (v2sf)  }
0x105: {  	[tilespmem:s26], [sflag:$0x2] =	stream.linear.gather [hbm4b:s6+s2], $0x80, $0x38;
	[tilespmem:$0x19400] =	vst v63  }
0x106: {  	s13 =	simm.s32 $0xD200;
	(v2sf) =	vpush v0, $0xF;
	s3 =	sand.u32 $0x1FFFFFF0, s28;
	s7 =	spop (v2sf)  }
0x107: {  	s6 =	sand.u32 $0x1FFFFFF0, s7;
	s3 =	sadd.s32 s4, s3;
	s10 =	spop (v2sf)  }
0x108: {  	[tilespmem:s8], [sflag:$0x2] =	stream.linear.gather [hbm4b:s3+s2], $0x80, $0x38;
	[tilespmem:$0x19400] =	vst v63  }
0x109: {  	s6 =	sadd.s32 s4, s6;
	s11 =	sand.u32 $0x1FFFFFF0, s10;
	s12 =	spop (v2sf)  }
0x10a: {  	[tilespmem:s23], [sflag:$0x2] =	stream.linear.gather [hbm4b:s6+s2], $0x80, $0x38;
	[tilespmem:$0x19400] =	vst v63  }
0x10b: {  	s0 =	sadd.s32 s4, s11;
	s14 =	spop (v2sf);
	s6 =	sand.u32 $0x1FFFFFF0, s12  }
0x10c: {  	[tilespmem:s9], [sflag:$0x2] =	stream.linear.gather [hbm4b:s0+s2], $0x80, $0x38;
	[tilespmem:$0x19400] =	vst v63  }
0x10d: {  	s3 =	sand.u32 $0x1FFFFFF0, s14;
	s17 =	spop (v2sf);
	s6 =	sadd.s32 s4, s6  }
0x10e: {  	[tilespmem:s5], [sflag:$0x2] =	stream.linear.gather [hbm4b:s6+s2], $0x80, $0x38;
	[tilespmem:$0x19400] =	vst v63  }
0x10f: {  	s18 =	spop (v2sf);
	s3 =	sadd.s32 s4, s3;
	s6 =	sand.u32 $0x1FFFFFF0, s17  }
0x110: {  	[tilespmem:s15], [sflag:$0x2] =	stream.linear.gather [hbm4b:s3+s2], $0x80, $0x38;
	[tilespmem:$0x19400] =	vst v63  }
0x111: {  	s19 =	sand.u32 $0x1FFFFFF0, s18;
	s21 =	spop (v2sf);
	s6 =	sadd.s32 s4, s6  }
0x112: {  	[tilespmem:s13], [sflag:$0x2] =	stream.linear.gather [hbm4b:s6+s2], $0x80, $0x38;
	[tilespmem:$0x19400] =	vst v63  }
0x113: {  	s24 =	simm.s32 $0xD280;
	s23 =	sand.u32 $0x1FFFFFF0, s21;
	s1 =	sadd.s32 s4, s19  }
0x114: {  	[tilespmem:s24], [sflag:$0x2] =	stream.linear.gather [hbm4b:s1+s2], $0x80, $0x38;
	[tilespmem:$0x19400] =	vst v63  }
0x115: {  	s25 =	simm.s32 $0xD300;
	s0 =	sadd.s32 s4, s23;
	s26 =	spop (v2sf)  }
0x116: {  	s23 =	simm.s32 $0x210;
	s3 =	simm.s32 $0x800;
	s28 =	sand.u32 $0x1FFFFFF0, s26  }
0x117: {  	[tilespmem:s25], [sflag:$0x2] =	stream.linear.gather [hbm4b:s0+s2], $0x80, $0x38;
	[tilespmem:$0x19400] =	vst v63  }
0x118: {  	s24 =	simm.s32 $0x2;
	s26 =	simm.s32 @!p1 $0x2;
	s1 =	sadd.s32 s4, s28  }
.LBB2_7:
0x119: {  	s13 =	sadd.s32 $0xCC80, s3  }
0x11a: {  	s0 =	sadd.s32 $0xD380, s3;
	s25 =	smov.u32 s16;
	s16 =	sadd.s32 $0x2000, s16  }
0x11b: {  	[tilespmem:s22], [sflag:$0x2] =	stream.linear.gather [hbm4b:s1+s2], $0x80, $0x38;
	[tilespmem:$0x19400] =	vst v63  }
0x11c: {  	s7 =	sadd.s32 $0xCE80, s3;
	s28 =	sadd.s32 $0xD000, s3;
	_ =	swait.ge @!p1 [sflag:s26], $0x800  }
0x11d: {  	s17 =	sadd.s32 $0xCC00, s3;
	s11 =	sadd.s32 $0xCE00, s3;
	[sflag:s26] =	ssyncset.done @!p1 $0x0  }
0x11e: {  	p3 =	slt.u32 s24, $0x10;
	s8 =	sadd.s32 $0xCF00, s3;
	[sflag:s26] =	ssyncadd.s32 @!p1 $0xFFFFF800  }
0x11f: {  	s14 =	sadd.s32 $0xCD00, s3;
	p2 =	sne.s32 s16, $0x32000;
	s1 =	sadd.s32 $0xD100, s3;
	v0 =	vld [tilespmem:s23+$0x0]  }
0x120: {  	s6 =	sadd.s32 $0xD080, s3;
	s22 =	smov.u32 s0;
	p1 =	por p0, p0  }
0x121: {  	p0 =	por p3, p3;
	_ =	sdelay $0x1  }
0x122: {  	s15 =	sadd.s32 $0xCD80, s3  }
0x123: {  	v0 =	vshll.u32 v0, $0x4  }
0x124: {  	(v2sf) =	vpush v0, $0x2  }
0x125: {  	(v2sf) =	vpush v0, $0x0  }
0x126: {  	(v2sf) =	vpush v0, $0x1  }
0x127: {  	(v2sf) =	vpush v0, $0x3;
	_ =	sdelay $0x1  }
0x128: {  	(v2sf) =	vpush v0, $0x4;
	_ =	sdelay $0x1  }
0x129: {  	(v2sf) =	vpush v0, $0x5;
	_ =	sdelay $0x1  }
0x12a: {  	(v2sf) =	vpush v0, $0x6;
	_ =	sdelay $0x1  }
0x12b: {  	(v2sf) =	vpush v0, $0x7;
	_ =	sdelay $0x1  }
0x12c: {  	s9 =	sadd.s32 $0xD200, s3;
	(v2sf) =	vpush v0, $0x8  }
0x12d: {  	s12 =	sadd.s32 $0xD180, s3;
	s23 =	sadd.s32 $0x10, s23  }
0x12e: {  	s24 =	sadd.s32 $0x1, s24;
	s26 =	simm.s32 @!p1 $0x2;
	s0 =	spop (v2sf);
	(v2sf) =	vpush v0, $0x9  }
0x12f: {  	s10 =	sadd.s32 $0xD300, s3;
	s0 =	sand.u32 $0x1FFFFFF0, s0;
	s18 =	spop (v2sf)  }
0x130: {  	s19 =	sadd.s32 $0xCF80, s3;
	s18 =	sand.u32 $0x1FFFFFF0, s18;
	s21 =	spop (v2sf);
	(v2sf) =	vpush v0, $0xA  }
0x131: {  	s18 =	sadd.s32 s4, s18;
	s21 =	sand.u32 $0x1FFFFFF0, s21;
	s5 =	spop (v2sf)  }
0x132: {  	[tilespmem:s17], [sflag:$0x2] =	stream.linear.gather [hbm4b:s18+s2], $0x80, $0x38;
	(v2sf) =	vpush v0, $0xB;
	[tilespmem:$0x19400] =	vst v63  }
0x133: {  	s17 =	sadd.s32 s4, s21;
	s5 =	sand.u32 $0x1FFFFFF0, s5;
	s18 =	spop (v2sf)  }
0x134: {  	[tilespmem:s13], [sflag:$0x2] =	stream.linear.gather [hbm4b:s17+s2], $0x80, $0x38;
	(v2sf) =	vpush v0, $0xC;
	[tilespmem:$0x19400] =	vst v63  }
0x135: {  	s0 =	sadd.s32 s4, s0;
	s13 =	sand.u32 $0x1FFFFFF0, s18;
	s17 =	spop (v2sf)  }
0x136: {  	[tilespmem:s14], [sflag:$0x2] =	stream.linear.gather [hbm4b:s0+s2], $0x80, $0x38;
	(v2sf) =	vpush v0, $0xD;
	[tilespmem:$0x19400] =	vst v63  }
0x137: {  	s0 =	sadd.s32 s4, s5;
	s5 =	sand.u32 $0x1FFFFFF0, s17;
	s14 =	spop (v2sf)  }
0x138: {  	[tilespmem:s15], [sflag:$0x2] =	stream.linear.gather [hbm4b:s0+s2], $0x80, $0x38;
	(v2sf) =	vpush v0, $0xE;
	[tilespmem:$0x19400] =	vst v63  }
0x139: {  	s0 =	sadd.s32 s4, s13;
	s13 =	sand.u32 $0x1FFFFFF0, s14;
	s14 =	spop (v2sf)  }
0x13a: {  	[tilespmem:s11], [sflag:$0x2] =	stream.linear.gather [hbm4b:s0+s2], $0x80, $0x38;
	(v2sf) =	vpush v0, $0xF;
	[tilespmem:$0x19400] =	vst v63  }
0x13b: {  	s0 =	sadd.s32 s4, s5;
	s5 =	sand.u32 $0x1FFFFFF0, s14;
	s11 =	spop (v2sf)  }
0x13c: {  	[tilespmem:s7], [sflag:$0x2] =	stream.linear.gather [hbm4b:s0+s2], $0x80, $0x38;
	[tilespmem:$0x19400] =	vst v63  }
0x13d: {  	s0 =	sadd.s32 s4, s13;
	s7 =	sand.u32 $0x1FFFFFF0, s11;
	s11 =	spop (v2sf)  }
0x13e: {  	[tilespmem:s8], [sflag:$0x2] =	stream.linear.gather [hbm4b:s0+s2], $0x80, $0x38;
	[tilespmem:$0x19400] =	vst v63  }
0x13f: {  	s0 =	sadd.s32 s4, s5;
	s5 =	sand.u32 $0x1FFFFFF0, s11;
	s8 =	spop (v2sf)  }
0x140: {  	[tilespmem:s19], [sflag:$0x2] =	stream.linear.gather [hbm4b:s0+s2], $0x80, $0x38;
	[tilespmem:$0x19400] =	vst v63  }
0x141: {  	s0 =	sadd.s32 s4, s7;
	s7 =	sand.u32 $0x1FFFFFF0, s8;
	s8 =	spop (v2sf)  }
0x142: {  	[tilespmem:s28], [sflag:$0x2] =	stream.linear.gather [hbm4b:s0+s2], $0x80, $0x38;
	[tilespmem:$0x19400] =	vst v63  }
0x143: {  	s0 =	sadd.s32 s4, s5;
	s5 =	sand.u32 $0x1FFFFFF0, s8;
	s8 =	spop (v2sf)  }
0x144: {  	[tilespmem:s6], [sflag:$0x2] =	stream.linear.gather [hbm4b:s0+s2], $0x80, $0x38;
	[tilespmem:$0x19400] =	vst v63  }
0x145: {  	s0 =	sadd.s32 s4, s7;
	s6 =	sand.u32 $0x1FFFFFF0, s8;
	s7 =	spop (v2sf)  }
0x146: {  	[tilespmem:s1], [sflag:$0x2] =	stream.linear.gather [hbm4b:s0+s2], $0x80, $0x38;
	[tilespmem:$0x19400] =	vst v63  }
0x147: {  	s0 =	sadd.s32 s4, s5;
	s1 =	sand.u32 $0x1FFFFFF0, s7;
	s5 =	spop (v2sf)  }
0x148: {  	[tilespmem:s12], [sflag:$0x2] =	stream.linear.gather [hbm4b:s0+s2], $0x80, $0x38;
	[tilespmem:$0x19400] =	vst v63  }
0x149: {  	s0 =	sadd.s32 s4, s6;
	s5 =	sand.u32 $0x1FFFFFF0, s5;
	s6 =	spop (v2sf)  }
0x14a: {  	[tilespmem:s9], [sflag:$0x2] =	stream.linear.gather [hbm4b:s0+s2], $0x80, $0x38;
	[tilespmem:$0x19400] =	vst v63  }
.Ltmp2:
0x14b: {  	_ = 	snop;
	(pc) =	sbr.rel @p2 .LBB2_7-.Ltmp2, $4  }
0x14c: {  	s1 =	sadd.s32 s4, s1;
	s0 =	sadd.s32 $0xD280, s3;
	s6 =	sand.u32 $0x1FFFFFF0, s6  }
0x14d: {  	[tilespmem:s0], [sflag:$0x2] =	stream.linear.gather [hbm4b:s1+s2], $0x80, $0x38;
	[tilespmem:$0x19400] =	vst v63  }
0x14e: {  	s3 =	sshra.s32 s25, $0x2;
	s0 =	sadd.s32 s4, s5;
	s1 =	sadd.s32 s4, s6  }
0x14f: {  	[tilespmem:s10], [sflag:$0x2] =	stream.linear.gather [hbm4b:s0+s2], $0x80, $0x38;
	[tilespmem:$0x19400] =	vst v63  }
0x150: {  	[tilespmem:s22], [sflag:$0x2] =	stream.linear.gather [hbm4b:s1+s2], $0x80, $0x38;
	[tilespmem:$0x19400] =	vst v63  }
0x151: {  	_ =	swait.ge @!p1 [sflag:s26], $0x800  }
0x152: {  	[sflag:s26] =	ssyncset.done @!p1 $0x0  }
0x153: {  	[sflag:s26] =	ssyncadd.s32 @!p1 $0xFFFFF800  }
0x154: {  	v0 =	vld [tilespmem:s23+$0x0];
	_ =	sdelay $0x4  }
0x155: {  	v0 =	vshll.u32 v0, $0x4  }
0x156: {  	(v2sf) =	vpush v0, $0x2  }
0x157: {  	(v2sf) =	vpush v0, $0x0  }
0x158: {  	(v2sf) =	vpush v0, $0x1  }
0x159: {  	(v2sf) =	vpush v0, $0x3;
	_ =	sdelay $0x1  }
0x15a: {  	(v2sf) =	vpush v0, $0x4;
	_ =	sdelay $0x1  }
0x15b: {  	(v2sf) =	vpush v0, $0x5;
	_ =	sdelay $0x1  }
0x15c: {  	(v2sf) =	vpush v0, $0x6;
	_ =	sdelay $0x1  }
0x15d: {  	(v2sf) =	vpush v0, $0x7  }
0x15e: {  	s0 =	sadd.s32 $0xCC80, s3;
	s5 =	sadd.s32 $0xCE80, s3;
	s6 =	sadd.s32 $0xD000, s3  }
0x15f: {  	s7 =	sadd.s32 $0xCC00, s3;
	s8 =	sadd.s32 $0xCE00, s3;
	s9 =	sadd.s32 $0xCF00, s3;
	(v2sf) =	vpush v0, $0x8  }
0x160: {  	s10 =	sadd.s32 $0xCD00, s3;
	s11 =	sadd.s32 $0xD100, s3;
	s12 =	sadd.s32 $0xD080, s3  }
0x161: {  	p0 =	por p0, p0;
	s13 =	sadd.s32 $0xCD80, s3;
	s14 =	spop (v2sf)  }
0x162: {  	s1 =	sadd.s32 $0xD200, s3;
	s15 =	sadd.s32 $0xD180, s3;
	s16 =	spop (v2sf)  }
0x163: {  	(v2sf) =	vpush v0, $0x9;
	s14 =	sand.u32 $0x1FFFFFF0, s14;
	s16 =	sand.u32 $0x1FFFFFF0, s16;
	s17 =	spop (v2sf)  }
0x164: {  	s16 =	sadd.s32 s4, s16;
	s17 =	sand.u32 $0x1FFFFFF0, s17;
	s18 =	spop (v2sf)  }
0x165: {  	(v2sf) =	vpush v0, $0xA;
	[tilespmem:s7], [sflag:$0x2] =	stream.linear.gather [hbm4b:s16+s2], $0x80, $0x38;
	[tilespmem:$0x19400] =	vst v63  }
0x166: {  	s14 =	sadd.s32 s4, s14;
	s24 =	sadd.s32 s4, s17;
	s25 =	spop (v2sf)  }
0x167: {  	(v2sf) =	vpush v0, $0xB;
	[tilespmem:s0], [sflag:$0x2] =	stream.linear.gather [hbm4b:s24+s2], $0x80, $0x38;
	[tilespmem:$0x19400] =	vst v63  }
0x168: {  	s7 =	sadd.s32 $0xCF80, s3;
	s26 =	sand.u32 $0x1FFFFFF0, s18;
	s28 =	spop (v2sf)  }
0x169: {  	(v2sf) =	vpush v0, $0xC;
	[tilespmem:s10], [sflag:$0x2] =	stream.linear.gather [hbm4b:s14+s2], $0x80, $0x38;
	[tilespmem:$0x19400] =	vst v63  }
0x16a: {  	s0 =	sadd.s32 s4, s26;
	s17 =	spop (v2sf);
	s14 =	sand.u32 $0x1FFFFFF0, s25  }
0x16b: {  	(v2sf) =	vpush v0, $0xD;
	[tilespmem:s13], [sflag:$0x2] =	stream.linear.gather [hbm4b:s0+s2], $0x80, $0x38;
	[tilespmem:$0x19400] =	vst v63  }
0x16c: {  	s18 =	sand.u32 $0x1FFFFFF0, s28;
	s19 =	spop (v2sf);
	s10 =	sadd.s32 s4, s14  }
0x16d: {  	(v2sf) =	vpush v0, $0xE;
	[tilespmem:s8], [sflag:$0x2] =	stream.linear.gather [hbm4b:s10+s2], $0x80, $0x38;
	[tilespmem:$0x19400] =	vst v63  }
0x16e: {  	s21 =	sand.u32 $0x1FFFFFF0, s17;
	s22 =	spop (v2sf);
	s0 =	sadd.s32 s4, s18  }
0x16f: {  	(v2sf) =	vpush v0, $0xF;
	[tilespmem:s5], [sflag:$0x2] =	stream.linear.gather [hbm4b:s0+s2], $0x80, $0x38;
	[tilespmem:$0x19400] =	vst v63  }
0x170: {  	s23 =	sand.u32 $0x1FFFFFF0, s19;
	s24 =	sadd.s32 s4, s21;
	s26 =	sand.u32 $0x1FFFFFF0, s22  }
0x171: {  	[tilespmem:s9], [sflag:$0x2] =	stream.linear.gather [hbm4b:s24+s2], $0x80, $0x38;
	[tilespmem:$0x19400] =	vst v63  }
0x172: {  	s0 =	sadd.s32 s4, s23;
	s5 =	sadd.s32 s4, s26;
	s25 =	spop (v2sf)  }
0x173: {  	[tilespmem:s7], [sflag:$0x2] =	stream.linear.gather [hbm4b:s0+s2], $0x80, $0x38;
	[tilespmem:$0x19400] =	vst v63  }
0x174: {  	s23 =	sadd.s32 $0xD280, s3;
	s28 =	spop (v2sf);
	s8 =	sand.u32 $0x1FFFFFF0, s25  }
0x175: {  	[tilespmem:s6], [sflag:$0x2] =	stream.linear.gather [hbm4b:s5+s2], $0x80, $0x38;
	[tilespmem:$0x19400] =	vst v63  }
0x176: {  	s10 =	spop (v2sf);
	s13 =	sand.u32 $0x1FFFFFF0, s28;
	s0 =	sadd.s32 s4, s8  }
0x177: {  	[tilespmem:s12], [sflag:$0x2] =	stream.linear.gather [hbm4b:s0+s2], $0x80, $0x38;
	[tilespmem:$0x19400] =	vst v63  }
0x178: {  	s14 =	spop (v2sf);
	s16 =	sand.u32 $0x1FFFFFF0, s10;
	s5 =	sadd.s32 s4, s13  }
0x179: {  	[tilespmem:s11], [sflag:$0x2] =	stream.linear.gather [hbm4b:s5+s2], $0x80, $0x38;
	[tilespmem:$0x19400] =	vst v63  }
0x17a: {  	s17 =	spop (v2sf);
	s18 =	sand.u32 $0x1FFFFFF0, s14;
	s0 =	sadd.s32 s4, s16  }
0x17b: {  	[tilespmem:s15], [sflag:$0x2] =	stream.linear.gather [hbm4b:s0+s2], $0x80, $0x38;
	[tilespmem:$0x19400] =	vst v63  }
0x17c: {  	s19 =	spop (v2sf);
	s21 =	sand.u32 $0x1FFFFFF0, s17;
	s5 =	sadd.s32 s4, s18  }
0x17d: {  	[tilespmem:s1], [sflag:$0x2] =	stream.linear.gather [hbm4b:s5+s2], $0x80, $0x38;
	[tilespmem:$0x19400] =	vst v63  }
0x17e: {  	s6 =	sand.u32 $0x1FFFFFF0, s19;
	s22 =	spop (v2sf);
	s0 =	sadd.s32 s4, s21  }
0x17f: {  	[tilespmem:s23], [sflag:$0x2] =	stream.linear.gather [hbm4b:s0+s2], $0x80, $0x38;
	[tilespmem:$0x19400] =	vst v63  }
0x180: {  	s24 =	sadd.s32 $0xD300, s3;
	s25 =	sadd.s32 s4, s6;
	s1 =	sand.u32 $0x1FFFFFF0, s22  }
0x181: {  	[tilespmem:s24], [sflag:$0x2] =	stream.linear.gather [hbm4b:s25+s2], $0x80, $0x38;
	[tilespmem:$0x19400] =	vst v63  }
0x182: {  	s26 =	sadd.s32 $0xD380, s3;
	s3 =	simm.s32 @!p0 $0x2;
	s1 =	sadd.s32 s4, s1  }
0x183: {  	[tilespmem:s26], [sflag:$0x2] =	stream.linear.gather [hbm4b:s1+s2], $0x80, $0x38;
	[tilespmem:$0x19400] =	vst v63  }
0x184: {  	_ =	swait.ge @!p0 [sflag:s3], $0x800  }
0x185: {  	[sflag:s3] =	ssyncset.done @!p0 $0x0  }
0x186: {  	s28 =	simm.s32 $0x2;
	[sflag:s3] =	ssyncadd.s32 @!p0 $0xFFFFF800  }
0x187: {  	_ =	swait.ge [sflag:s28], $0x8000  }
0x188: {  	[sflag:s28] =	ssyncset.done $0x0  }
0x189: {  	s1 =	simm.s32 $0x0;
	[sflag:s28] =	ssyncadd.s32 $0xFFFF8000  }
0x18a: {  	v0 =	vld [tilespmem:s1+$0xCC00]  }
0x18b: {  	v2 =	vld [tilespmem:s1+$0xCC10]  }
0x18c: {  	s3 =	simm.s32 $0x200;
	v1 =	vld [tilespmem:s1+$0xCC20]  }
.LBB2_9:
0x18d: {  	p0 =	sne.s32 s3, $0x31E00;
	v3 =	vld [tilespmem:s1+$0xCC30];
	_ =	sdelay $0x1  }
0x18e: {  	v0 =	vmul.f32 $8.000000000e+00, v0  }
.Ltmp3:
0x18f: {  	v2 =	vmul.f32 $8.000000000e+00, v2;
	(pc) =	sbr.rel @p0 .LBB2_9-.Ltmp3, $4  }
0x190: {  	s0 =	sshra.s32 s3, $0x2;
	[tilespmem:s1+$0xCC00] =	vst v0;
	v1 =	vmul.f32 $8.000000000e+00, v1  }
0x191: {  	v0 =	vld [tilespmem:s0+$0xCC00];
	[tilespmem:s1+$0xCC10] =	vst v2;
	v3 =	vmul.f32 $8.000000000e+00, v3  }
0x192: {  	v2 =	vld [tilespmem:s0+$0xCC10];
	[tilespmem:s1+$0xCC20] =	vst v1  }
0x193: {  	s3 =	sadd.s32 $0x200, s3;
	v1 =	vld [tilespmem:s0+$0xCC20];
	[tilespmem:s1+$0xCC30] =	vst v3;
	s1 =	smov.u32 s0  }
0x194: {  	v3 =	vld [tilespmem:s1+$0xCC30];
	_ =	sdelay $0x1  }
0x195: {  	v0 =	vmul.f32 $8.000000000e+00, v0  }
0x196: {  	v2 =	vmul.f32 $8.000000000e+00, v2  }
0x197: {  	[tilespmem:s1+$0xCC00] =	vst v0;
	v62 =	vmul.f32 $8.000000000e+00, v1  }
0x198: {  	s0 =	smul.u32 $0x380, s31;
	[tilespmem:s1+$0xCC10] =	vst v2;
	v63 =	vmul.f32 $8.000000000e+00, v3  }
0x199: {  	s12 =	rddreg [dreg:$0x3];
	s13 =	simm.s32 $0xCC00;
	[tilespmem:s1+$0xCC20] =	vst v62  }
0x19a: {  	s14 =	rddreg [dreg:$0x9];
	s15 =	simm.s32 $0xE500;
	s0 =	sadd.s32 s12, s0;
	[tilespmem:s1+$0xCC30] =	vst v63  }
0x19b: {  	[hbm4b:s0+s2] =	stream.linear.scatter [tilespmem:s13], [sflag:$0x4], $0x1900, $0x38;
	[tilespmem:$0x19400] =	vst v63  }
0x19c: {  	s16 =	rddreg [dreg:$0xa];
	s17 =	simm.s32 $0xFE00;
	s0 =	sadd.s32 s14, s30  }
0x19d: {  	[hbm4b:s0+s2] =	stream.linear.scatter [tilespmem:s15], [sflag:$0x4], $0x1900, $0x38;
	[tilespmem:$0x19400] =	vst v63  }
0x19e: {  	s18 =	rddreg [dreg:$0xc];
	s19 =	simm.s32 $0x11700;
	s0 =	sadd.s32 s16, s30  }
0x19f: {  	[hbm4b:s0+s2] =	stream.linear.scatter [tilespmem:s17], [sflag:$0x4], $0x1900, $0x38;
	[tilespmem:$0x19400] =	vst v63  }
0x1a0: {  	s21 =	rddreg [dreg:$0xd];
	s22 =	simm.s32 $0x13000;
	s0 =	sadd.s32 s18, s30  }
0x1a1: {  	[hbm4b:s0+s2] =	stream.linear.scatter [tilespmem:s19], [sflag:$0x4], $0x1900, $0x38;
	[tilespmem:$0x19400] =	vst v63  }
0x1a2: {  	s23 =	rddreg [dreg:$0xf];
	s29 =	sadd.s32 $0x1, s29;
	s0 =	sadd.s32 s21, s30  }
0x1a3: {  	[hbm4b:s0+s2] =	stream.linear.scatter [tilespmem:s22], [sflag:$0x4], $0x1900, $0x38;
	[tilespmem:$0x19400] =	vst v63  }
0x1a4: {  	s24 =	simm.s32 $0x14900;
	p0 =	sne.s32 s29, $0x20;
	s0 =	sadd.s32 s23, s30  }
0x1a5: {  	[hbm4b:s0+s2] =	stream.linear.scatter [tilespmem:s24], [sflag:$0x4], $0x1900, $0x38;
	[tilespmem:$0x19400] =	vst v63  }
.Ltmp4:
0x1a6: {  	s25 =	rddreg [dreg:$0x10];
	(pc) =	sbr.rel @p0 .LBB2_2-.Ltmp4, $4  }
0x1a7: {  	s26 =	simm.s32 $0x16200;
	s28 =	rddreg [dreg:$0x11];
	s0 =	sadd.s32 s25, s30  }
0x1a8: {  	[hbm4b:s0+s2] =	stream.linear.scatter [tilespmem:s26], [sflag:$0x4], $0x1900, $0x38;
	[tilespmem:$0x19400] =	vst v63  }
0x1a9: {  	s31 =	simm.s32 $0x17B00;
	s5 =	smov.u32 s20;
	s0 =	sadd.s32 s28, s30  }
0x1aa: {  	[hbm4b:s0+s2] =	stream.linear.scatter [tilespmem:s31], [sflag:$0x4], $0x1900, $0x38;
	[tilespmem:$0x19400] =	vst v63  }
0x1ab: {  	s0 =	simm.s32 $0x3  }
0x1ac: {  	_ =	swait.ge [sflag:s0], $0xC800  }
0x1ad: {  	[sflag:s0] =	ssyncset.done $0x0  }
0x1ae: {  	s1 =	simm.s32 $0x4;
	[sflag:s0] =	ssyncadd.s32 $0xFFFF3800  }
0x1af: {  	_ =	swait.ge [sflag:s1], $0xC800  }
0x1b0: {  	s3 =	rddreg [dreg:$0x12]  }
0x1b1: {  	s31 =	rddreg [dreg:$0xe];
	s3 =	sadd.s32 $0x1, s3  }
0x1b2: {  	p0 =	sne.s32 s3, s31  }
.Ltmp5:
0x1b3: {  	_ = 	snop;
	(pc) =	sbr.rel @p0 .LBB2_1-.Ltmp5, $3  }
0x1b4: {  	_ =	sdelay $0x1  }
0x1b5: {  	[sflag:s1] =	ssyncset.done $0x0  }
0x1b6: {  	[sflag:s1] =	ssyncadd.s32 $0xFFFF3800  }
0x1b7: {  	_ =	sfence.sel $0x180000  }
0x1b8: {  	[bflag:$0x0] =	sbarrier.arrive $0xFFFF  }
0x1b9: {  	_ =	strace $0x90000047  }
0x1ba: {  	s0 =	stileid.u32;
	[bflag:$0x2] =	sbarrier.arrive $0xFFFF  }
0x1bb: {  	p0 =	sne.s32 s0, $0x0;
	s0 =	rddreg [dreg:$0x2]  }
0x1bc: {  	s0 =	sadd.s32 @!p0 $0x100000, s0  }
0x1bd: {  	[sflag:s0] =	ssyncadd.tile.s32 @!p0 $0x1;
	_ =	shalt  }
.Lfunc_end2:
_tile_overlayer_lowered:
.L_overlay_start_2:
0x1be: {  	(tag) =	ssettag $0x2  }
0x1bf: {  	s0 =	rddreg [dreg:$0x0];
	s2 =	stileid.u32  }
0x1c0: {  	s1 =	rddreg [dreg:$0x1];
	p0 =	sne.s32 s2, $0x0  }
0x1c1: {  	s3 =	rddreg [dreg:$0x2];
	[bflag:$0x3] =	sbarrier.arrive $0xFFFF;
	s2 =	simm.s32 @!p0 $0x1C05  }
0x1c2: {  	[timem:s3], [sflag:s2] =	dma.local @!p0 [hbm:s0], s1  }
0x1c3: {  	s0 =	simm.s32 @!p0 $0x5  }
0x1c4: {  	_ =	swait.ge @!p0 [sflag:s0], s1  }
0x1c5: {  	s1 =	ssub.s32 @!p0 $0x0, s1;
	[sflag:s0] =	ssyncset.done @!p0 $0x0  }
0x1c6: {  	[sflag:s0] =	ssyncadd.s32 @!p0 s1  }
0x1c7: {  	[bflag:$0x3] =	sbarrier.arrive $0xFFFF  }
0x1c8: {  	_ =	shalt  }

</sc_bundles>
